<compile_context>
chip_gen: v7x
topology: tpu7x:2x2x1
jax: 0.10.2.dev20260603
libtpu: 0.0.44.dev20260713+nightly
codegen_flags: <defaults>
</compile_context>

<pallas_src>
import functools

import jax
import jax.numpy as jnp
from jax import lax
from jax.experimental import pallas as pl
from jax.experimental.pallas import tpu as pltpu
from jax.experimental.pallas import tpu_sc as plsc

N, L, D = 64, 1024, 768
NUM_BINS = 10
LEN_KEEP = 256


def _score_body(img_ref, w_ref, idr_ref, mask_ref, keep_ref):
    n = pl.program_id(0)
    t = img_ref[0]

    mn = jnp.min(t, axis=-1, keepdims=True)
    mx = jnp.max(t, axis=-1, keepdims=True)
    norm9 = ((t - mn) / (mx - mn + 1e-19)) * (NUM_BINS - 1)
    partials = []
    for b in range(1, NUM_BINS):
        m = (norm9 >= float(b)).astype(jnp.bfloat16)
        acc = m[:, 0:128]
        for k in range(1, D // 128):
            acc = acc + m[:, k * 128:(k + 1) * 128]
        partials.append(acc)
    pcat = jnp.concatenate(partials, axis=1)
    csum = jax.lax.dot_general(
        pcat, w_ref[...], (((1,), (0,)), ((), ())),
        preferred_element_type=jnp.float32)
    ct = csum.T
    s = [ct[b - 1:b, :] for b in range(1, NUM_BINS)]
    counts = [float(D) - s[0]]
    for b in range(1, NUM_BINS - 1):
        counts.append(s[b - 1] - s[b])
    counts.append(s[NUM_BINS - 2])
    total = counts[0]
    for b in range(1, NUM_BINS):
        total = total + counts[b]
    ent = None
    for b in range(NUM_BINS):
        p = counts[b] / total
        term = p * jnp.log(p + 1e-09)
        ent = term if ent is None else ent + term
    e_row = -ent

    e_col = jnp.reshape(e_row, (L, 1))
    j_idx = lax.broadcasted_iota(jnp.int32, (1, L), 1)
    rank = jnp.zeros((1, L), jnp.int32)
    CH = 128
    for c in range(L // CH):
        ei = e_col[c * CH:(c + 1) * CH, :]
        ii = c * CH + lax.broadcasted_iota(jnp.int32, (CH, 1), 0)
        beats = (ei > e_row) | ((ei == e_row) & (ii < j_idx))
        rank = rank + jnp.sum(beats.astype(jnp.int32), axis=0, keepdims=True)

    idr_ref[0] = rank
    mask_ref[0] = (rank >= LEN_KEEP).astype(jnp.float32)

    r_idx = lax.broadcasted_iota(jnp.int32, (LEN_KEEP, 1), 0)
    oh = (rank == r_idx)
    vals = jnp.where(oh, jnp.broadcast_to(j_idx, (LEN_KEEP, L)), 0)
    ids_local = jnp.sum(vals, axis=1)
    keep_ref[0] = jnp.reshape(ids_local, (1, LEN_KEEP)) + n * L


def _score(img_pat):
    import numpy as np
    nb = img_pat.shape[0]
    w = np.zeros(((NUM_BINS - 1) * 128, 128), np.float32)
    for b in range(NUM_BINS - 1):
        w[b * 128:(b + 1) * 128, b] = 1.0
    w = jnp.asarray(w, jnp.bfloat16)
    return pl.pallas_call(
        _score_body,
        grid=(nb,),
        in_specs=[
            pl.BlockSpec((1, L, D), lambda n: (n, 0, 0)),
            pl.BlockSpec(((NUM_BINS - 1) * 128, 128), lambda n: (0, 0)),
        ],
        out_specs=[
            pl.BlockSpec((1, 1, L), lambda n: (n, 0, 0)),
            pl.BlockSpec((1, 1, L), lambda n: (n, 0, 0)),
            pl.BlockSpec((1, 1, LEN_KEEP), lambda n: (n, 0, 0)),
        ],
        out_shape=[
            jax.ShapeDtypeStruct((nb, 1, L), jnp.int32),
            jax.ShapeDtypeStruct((nb, 1, L), jnp.float32),
            jax.ShapeDtypeStruct((nb, 1, LEN_KEEP), jnp.int32),
        ],
    )(img_pat, w)


_B = N * LEN_KEEP
_NW = 32
_BPW = _B // _NW
_CHUNK = 64


def _gather_body(bpw, x_hbm, ids_hbm, out_hbm, idx_v, rows0, rows1, sem0, sem1):
    wid = lax.axis_index("s") * 2 + lax.axis_index("c")
    base = wid * bpw
    pltpu.sync_copy(ids_hbm.at[pl.ds(base, bpw)], idx_v)
    bufs, sems = (rows0, rows1), (sem0, sem1)
    nck = bpw // _CHUNK
    handles = [None] * nck
    handles[0] = pltpu.async_copy(
        x_hbm.at[idx_v.at[pl.ds(0, _CHUNK)]], rows0, sem0)
    for c in range(nck):
        if c + 1 < nck:
            handles[c + 1] = pltpu.async_copy(
                x_hbm.at[idx_v.at[pl.ds((c + 1) * _CHUNK, _CHUNK)]],
                bufs[(c + 1) % 2], sems[(c + 1) % 2])
        handles[c].wait()
        pltpu.sync_copy(bufs[c % 2],
                        out_hbm.at[pl.ds(base + c * _CHUNK, _CHUNK)])


@functools.cache
def _make_gather(nrows):
    bpw = nrows // _NW
    return pl.kernel(
        functools.partial(_gather_body, bpw),
        out_type=jax.ShapeDtypeStruct((nrows, D), jnp.float32),
        mesh=plsc.VectorSubcoreMesh(core_axis_name="c", subcore_axis_name="s"),
        scratch_types=[
            pltpu.VMEM((bpw,), jnp.int32),
            pltpu.VMEM((_CHUNK, D), jnp.float32),
            pltpu.VMEM((_CHUNK, D), jnp.float32),
            pltpu.SemaphoreType.DMA,
            pltpu.SemaphoreType.DMA,
        ],
    )


def kernel(x, img_pat):
    ids_restore3, mask3, keep3 = _score(img_pat)
    ids = keep3.reshape(_B)
    x_masked = _make_gather(_B)(x.reshape(N * L, D), ids).reshape(N, LEN_KEEP, D)
    return (x_masked, mask3.reshape(N, L), ids_restore3.reshape(N, L))

# --- scband reference (transcript-rebuilt; emitter-appended) ---
"""Pipeline reference for scband-masking-module-39968965657010 (READ-ONLY COPY).

The authoritative reference and input builder live on the scoring server;
editing this copy changes nothing except your own understanding.
"""

import jax, jax.numpy as jnp
import numpy as np


def _entropy(t, num_bins=10):
    # faithful to MaskingModule.entropy: per-(N,L) histogram entropy over patch pixels.
    # torch.unique+scatter_add builds counts of each quantized level; zero-count slots
    # contribute 0 to -sum(p*log(p+eps)), so a direct per-bin histogram is equivalent.
    mn = jnp.min(t, axis=-1, keepdims=True)
    mx = jnp.max(t, axis=-1, keepdims=True)
    norm = (t - mn) / (mx - mn + 1e-19)
    q = jnp.floor(norm * (num_bins - 1)).astype(jnp.int32)
    q = jnp.clip(q, 0, num_bins - 1)
    counts = jnp.stack([jnp.sum((q == b).astype(jnp.float32), axis=-1) for b in range(num_bins)], axis=-1)
    probs = counts / jnp.sum(counts, axis=-1, keepdims=True)
    log_probs = jnp.log(probs + 1e-09)
    return -jnp.sum(probs * log_probs, axis=-1)


def setup_inputs(seed: int = 0):
    key = jax.random.key(seed)
    k1, k2 = jax.random.split(key)
    x = jax.random.normal(k1, (64, 1024, 768), dtype=jnp.float32)
    img_pat = jax.random.uniform(k2, (64, 1024, 768), dtype=jnp.float32)
    return {"x": x, "img_pat": img_pat}


def reference(x, img_pat):
    # MaskingModule.forward(x, img_pat, masking_type='entropy_masking', masking_ratio=0.75)
    N, L, D = x.shape
    masking_ratio = 0.75
    len_keep = int(L * (1 - masking_ratio))
    entropies = _entropy(img_pat, num_bins=10)
    # descending=True argsort
    ids_shuffle = jnp.argsort(-entropies, axis=1)
    ids_restore = jnp.argsort(ids_shuffle, axis=1)
    ids_keep = ids_shuffle[:, :len_keep]
    x_masked = jnp.take_along_axis(x, ids_keep[:, :, None], axis=1)
    mask = jnp.ones((N, L), dtype=jnp.float32)
    mask = mask.at[:, :len_keep].set(0.0)
    mask = jnp.take_along_axis(mask, ids_restore, axis=1)
    return (x_masked, mask, ids_restore)

if __name__ == "__main__":
    import jax
    _d = setup_inputs()
    print(jax.jit(kernel)(*tuple(_d.values())))

</pallas_src>

<mosaic_0001>
#map = affine_map<(d0, d1) -> (0, 0)>
#map1 = affine_map<(d0, d1) -> (0)>
module attributes {stable_mosaic.version = 14 : i64} {
  func.func @_gather_body(%arg0: i32, %arg1: i32, %arg2: memref<65536x768xf32, #tpu.memory_space<hbm>>, %arg3: memref<16384xi32, #tpu.memory_space<hbm>>, %arg4: memref<16384x768xf32, #tpu.memory_space<hbm>>, %arg5: memref<512xi32, #tpu.memory_space<vmem>>, %arg6: memref<64x768xf32, #tpu.memory_space<vmem>>, %arg7: memref<64x768xf32, #tpu.memory_space<vmem>>, %arg8: memref<!tpu.dma_semaphore, #tpu.memory_space<semaphore_mem>>, %arg9: memref<!tpu.dma_semaphore, #tpu.memory_space<semaphore_mem>>) attributes {dimension_semantics = [#tpu.dimension_semantics<core_parallel>, #tpu.dimension_semantics<subcore_parallel>], iteration_bounds = array<i64: 2, 16>, scalar_prefetch = 0 : i64, scratch_operands = 5 : i64, tpu.core_type = #tpu.core_type<sc_vector_subcore>, window_params = [{transform_indices = #map}, {transform_indices = #map1}, {transform_indices = #map}]} {
    %mul3A = arith.constant 2 : i32
    %mul3A_0 = arith.muli %arg1, %mul3A : i32
    %add3A = arith.addi %mul3A_0, %arg0 : i32
    %mul3A_1 = arith.constant 512 : i32
    %mul3A_2 = arith.muli %add3A, %mul3A_1 : i32
    "tpu.region"() ({
      %run_scoped3A = tpu.sem_alloc : memref<!tpu.dma_semaphore, #tpu.memory_space<semaphore_mem>>
      %dma_start3A_97 = tpu.memref_slice %arg3[%mul3A_2] : memref<16384xi32, #tpu.memory_space<hbm>> -> memref<512xi32, #tpu.memory_space<hbm>>
      %dma_start3A_98 = tpu.memref_slice %arg3[%mul3A_2] : memref<16384xi32, #tpu.memory_space<hbm>> -> memref<512xi32, #tpu.memory_space<hbm>>
      tpu.enqueue_dma source(%dma_start3A_98 : memref<512xi32, #tpu.memory_space<hbm>>) target(%arg5 : memref<512xi32, #tpu.memory_space<vmem>>) target_semaphore(%run_scoped3A : memref<!tpu.dma_semaphore, #tpu.memory_space<semaphore_mem>>)
      %dma_wait3A_99 = tpu.memref_slice %arg3[%mul3A_2] : memref<16384xi32, #tpu.memory_space<hbm>> -> memref<512xi32, #tpu.memory_space<hbm>>
      %dma_wait3A_100 = tpu.memref_slice %arg3[%mul3A_2] : memref<16384xi32, #tpu.memory_space<hbm>> -> memref<512xi32, #tpu.memory_space<hbm>>
      tpu.wait_dma2 semaphore(%run_scoped3A : memref<!tpu.dma_semaphore, #tpu.memory_space<semaphore_mem>>) src(%dma_wait3A_100 : memref<512xi32, #tpu.memory_space<hbm>>) dst(%arg5 : memref<512xi32, #tpu.memory_space<vmem>>)
      tpu.yield
    }) : () -> ()
    %dma_start3A = arith.constant 0 : i32
    %dma_start3A_3 = tpu.memref_slice %arg5[%dma_start3A] : memref<512xi32, #tpu.memory_space<vmem>> -> memref<64xi32, #tpu.memory_space<vmem>>
    %dma_start3A_4 = arith.constant 0 : i32
    %dma_start3A_5 = arith.constant 0 : i32
    %dma_start3A_6 = tpu.memref_slice %arg2[%dma_start3A_4, %dma_start3A_5] : memref<65536x768xf32, #tpu.memory_space<hbm>> -> memref<65536x768xf32, #tpu.memory_space<hbm>>
    tpu.enqueue_indirect_dma source(%dma_start3A_6 : memref<65536x768xf32, #tpu.memory_space<hbm>>) target(%arg6 : memref<64x768xf32, #tpu.memory_space<vmem>>) offsets(%dma_start3A_3 : memref<64xi32, #tpu.memory_space<vmem>>) semaphore(%arg8 : memref<!tpu.dma_semaphore, #tpu.memory_space<semaphore_mem>>)
    %dma_start3A_7 = arith.constant 64 : i32
    %dma_start3A_8 = tpu.memref_slice %arg5[%dma_start3A_7] : memref<512xi32, #tpu.memory_space<vmem>> -> memref<64xi32, #tpu.memory_space<vmem>>
    %dma_start3A_9 = arith.constant 0 : i32
    %dma_start3A_10 = arith.constant 0 : i32
    %dma_start3A_11 = tpu.memref_slice %arg2[%dma_start3A_9, %dma_start3A_10] : memref<65536x768xf32, #tpu.memory_space<hbm>> -> memref<65536x768xf32, #tpu.memory_space<hbm>>
    tpu.enqueue_indirect_dma source(%dma_start3A_11 : memref<65536x768xf32, #tpu.memory_space<hbm>>) target(%arg7 : memref<64x768xf32, #tpu.memory_space<vmem>>) offsets(%dma_start3A_8 : memref<64xi32, #tpu.memory_space<vmem>>) semaphore(%arg9 : memref<!tpu.dma_semaphore, #tpu.memory_space<semaphore_mem>>)
    %dma_wait3A = arith.constant 0 : i32
    %dma_wait3A_12 = tpu.memref_slice %arg5[%dma_wait3A] : memref<512xi32, #tpu.memory_space<vmem>> -> memref<64xi32, #tpu.memory_space<vmem>>
    %dma_wait3A_13 = arith.constant 0 : i32
    %dma_wait3A_14 = arith.constant 0 : i32
    %dma_wait3A_15 = tpu.memref_slice %arg2[%dma_wait3A_13, %dma_wait3A_14] : memref<65536x768xf32, #tpu.memory_space<hbm>> -> memref<65536x768xf32, #tpu.memory_space<hbm>>
    tpu.wait_indirect_dma semaphore(%arg8 : memref<!tpu.dma_semaphore, #tpu.memory_space<semaphore_mem>>) src(%dma_wait3A_15 : memref<65536x768xf32, #tpu.memory_space<hbm>>) dst(%arg6 : memref<64x768xf32, #tpu.memory_space<vmem>>)
    %add3A_16 = arith.constant 0 : i32
    %add3A_17 = arith.addi %mul3A_2, %add3A_16 : i32
    "tpu.region"() ({
      %run_scoped3A = tpu.sem_alloc : memref<!tpu.dma_semaphore, #tpu.memory_space<semaphore_mem>>
      %dma_start3A_97 = arith.constant 0 : i32
      %dma_start3A_98 = tpu.memref_slice %arg4[%add3A_17, %dma_start3A_97] : memref<16384x768xf32, #tpu.memory_space<hbm>> -> memref<64x768xf32, #tpu.memory_space<hbm>>
      %dma_start3A_99 = arith.constant 0 : i32
      %dma_start3A_100 = tpu.memref_slice %arg4[%add3A_17, %dma_start3A_99] : memref<16384x768xf32, #tpu.memory_space<hbm>> -> memref<64x768xf32, #tpu.memory_space<hbm>>
      tpu.enqueue_dma source(%arg6 : memref<64x768xf32, #tpu.memory_space<vmem>>) target(%dma_start3A_100 : memref<64x768xf32, #tpu.memory_space<hbm>>) target_semaphore(%run_scoped3A : memref<!tpu.dma_semaphore, #tpu.memory_space<semaphore_mem>>)
      %dma_wait3A_101 = arith.constant 0 : i32
      %dma_wait3A_102 = tpu.memref_slice %arg4[%add3A_17, %dma_wait3A_101] : memref<16384x768xf32, #tpu.memory_space<hbm>> -> memref<64x768xf32, #tpu.memory_space<hbm>>
      %dma_wait3A_103 = arith.constant 0 : i32
      %dma_wait3A_104 = tpu.memref_slice %arg4[%add3A_17, %dma_wait3A_103] : memref<16384x768xf32, #tpu.memory_space<hbm>> -> memref<64x768xf32, #tpu.memory_space<hbm>>
      tpu.wait_dma2 semaphore(%run_scoped3A : memref<!tpu.dma_semaphore, #tpu.memory_space<semaphore_mem>>) src(%arg6 : memref<64x768xf32, #tpu.memory_space<vmem>>) dst(%dma_wait3A_104 : memref<64x768xf32, #tpu.memory_space<hbm>>)
      tpu.yield
    }) : () -> ()
    %dma_start3A_18 = arith.constant 128 : i32
    %dma_start3A_19 = tpu.memref_slice %arg5[%dma_start3A_18] : memref<512xi32, #tpu.memory_space<vmem>> -> memref<64xi32, #tpu.memory_space<vmem>>
    %dma_start3A_20 = arith.constant 0 : i32
    %dma_start3A_21 = arith.constant 0 : i32
    %dma_start3A_22 = tpu.memref_slice %arg2[%dma_start3A_20, %dma_start3A_21] : memref<65536x768xf32, #tpu.memory_space<hbm>> -> memref<65536x768xf32, #tpu.memory_space<hbm>>
    tpu.enqueue_indirect_dma source(%dma_start3A_22 : memref<65536x768xf32, #tpu.memory_space<hbm>>) target(%arg6 : memref<64x768xf32, #tpu.memory_space<vmem>>) offsets(%dma_start3A_19 : memref<64xi32, #tpu.memory_space<vmem>>) semaphore(%arg8 : memref<!tpu.dma_semaphore, #tpu.memory_space<semaphore_mem>>)
    %dma_wait3A_23 = arith.constant 64 : i32
    %dma_wait3A_24 = tpu.memref_slice %arg5[%dma_wait3A_23] : memref<512xi32, #tpu.memory_space<vmem>> -> memref<64xi32, #tpu.memory_space<vmem>>
    %dma_wait3A_25 = arith.constant 0 : i32
    %dma_wait3A_26 = arith.constant 0 : i32
    %dma_wait3A_27 = tpu.memref_slice %arg2[%dma_wait3A_25, %dma_wait3A_26] : memref<65536x768xf32, #tpu.memory_space<hbm>> -> memref<65536x768xf32, #tpu.memory_space<hbm>>
    tpu.wait_indirect_dma semaphore(%arg9 : memref<!tpu.dma_semaphore, #tpu.memory_space<semaphore_mem>>) src(%dma_wait3A_27 : memref<65536x768xf32, #tpu.memory_space<hbm>>) dst(%arg7 : memref<64x768xf32, #tpu.memory_space<vmem>>)
    %add3A_28 = arith.constant 64 : i32
    %add3A_29 = arith.addi %mul3A_2, %add3A_28 : i32
    "tpu.region"() ({
      %run_scoped3A = tpu.sem_alloc : memref<!tpu.dma_semaphore, #tpu.memory_space<semaphore_mem>>
      %dma_start3A_97 = arith.constant 0 : i32
      %dma_start3A_98 = tpu.memref_slice %arg4[%add3A_29, %dma_start3A_97] : memref<16384x768xf32, #tpu.memory_space<hbm>> -> memref<64x768xf32, #tpu.memory_space<hbm>>
      %dma_start3A_99 = arith.constant 0 : i32
      %dma_start3A_100 = tpu.memref_slice %arg4[%add3A_29, %dma_start3A_99] : memref<16384x768xf32, #tpu.memory_space<hbm>> -> memref<64x768xf32, #tpu.memory_space<hbm>>
      tpu.enqueue_dma source(%arg7 : memref<64x768xf32, #tpu.memory_space<vmem>>) target(%dma_start3A_100 : memref<64x768xf32, #tpu.memory_space<hbm>>) target_semaphore(%run_scoped3A : memref<!tpu.dma_semaphore, #tpu.memory_space<semaphore_mem>>)
      %dma_wait3A_101 = arith.constant 0 : i32
      %dma_wait3A_102 = tpu.memref_slice %arg4[%add3A_29, %dma_wait3A_101] : memref<16384x768xf32, #tpu.memory_space<hbm>> -> memref<64x768xf32, #tpu.memory_space<hbm>>
      %dma_wait3A_103 = arith.constant 0 : i32
      %dma_wait3A_104 = tpu.memref_slice %arg4[%add3A_29, %dma_wait3A_103] : memref<16384x768xf32, #tpu.memory_space<hbm>> -> memref<64x768xf32, #tpu.memory_space<hbm>>
      tpu.wait_dma2 semaphore(%run_scoped3A : memref<!tpu.dma_semaphore, #tpu.memory_space<semaphore_mem>>) src(%arg7 : memref<64x768xf32, #tpu.memory_space<vmem>>) dst(%dma_wait3A_104 : memref<64x768xf32, #tpu.memory_space<hbm>>)
      tpu.yield
    }) : () -> ()
    %dma_start3A_30 = arith.constant 192 : i32
    %dma_start3A_31 = tpu.memref_slice %arg5[%dma_start3A_30] : memref<512xi32, #tpu.memory_space<vmem>> -> memref<64xi32, #tpu.memory_space<vmem>>
    %dma_start3A_32 = arith.constant 0 : i32
    %dma_start3A_33 = arith.constant 0 : i32
    %dma_start3A_34 = tpu.memref_slice %arg2[%dma_start3A_32, %dma_start3A_33] : memref<65536x768xf32, #tpu.memory_space<hbm>> -> memref<65536x768xf32, #tpu.memory_space<hbm>>
    tpu.enqueue_indirect_dma source(%dma_start3A_34 : memref<65536x768xf32, #tpu.memory_space<hbm>>) target(%arg7 : memref<64x768xf32, #tpu.memory_space<vmem>>) offsets(%dma_start3A_31 : memref<64xi32, #tpu.memory_space<vmem>>) semaphore(%arg9 : memref<!tpu.dma_semaphore, #tpu.memory_space<semaphore_mem>>)
    %dma_wait3A_35 = arith.constant 128 : i32
    %dma_wait3A_36 = tpu.memref_slice %arg5[%dma_wait3A_35] : memref<512xi32, #tpu.memory_space<vmem>> -> memref<64xi32, #tpu.memory_space<vmem>>
    %dma_wait3A_37 = arith.constant 0 : i32
    %dma_wait3A_38 = arith.constant 0 : i32
    %dma_wait3A_39 = tpu.memref_slice %arg2[%dma_wait3A_37, %dma_wait3A_38] : memref<65536x768xf32, #tpu.memory_space<hbm>> -> memref<65536x768xf32, #tpu.memory_space<hbm>>
    tpu.wait_indirect_dma semaphore(%arg8 : memref<!tpu.dma_semaphore, #tpu.memory_space<semaphore_mem>>) src(%dma_wait3A_39 : memref<65536x768xf32, #tpu.memory_space<hbm>>) dst(%arg6 : memref<64x768xf32, #tpu.memory_space<vmem>>)
    %add3A_40 = arith.constant 128 : i32
    %add3A_41 = arith.addi %mul3A_2, %add3A_40 : i32
    "tpu.region"() ({
      %run_scoped3A = tpu.sem_alloc : memref<!tpu.dma_semaphore, #tpu.memory_space<semaphore_mem>>
      %dma_start3A_97 = arith.constant 0 : i32
      %dma_start3A_98 = tpu.memref_slice %arg4[%add3A_41, %dma_start3A_97] : memref<16384x768xf32, #tpu.memory_space<hbm>> -> memref<64x768xf32, #tpu.memory_space<hbm>>
      %dma_start3A_99 = arith.constant 0 : i32
      %dma_start3A_100 = tpu.memref_slice %arg4[%add3A_41, %dma_start3A_99] : memref<16384x768xf32, #tpu.memory_space<hbm>> -> memref<64x768xf32, #tpu.memory_space<hbm>>
      tpu.enqueue_dma source(%arg6 : memref<64x768xf32, #tpu.memory_space<vmem>>) target(%dma_start3A_100 : memref<64x768xf32, #tpu.memory_space<hbm>>) target_semaphore(%run_scoped3A : memref<!tpu.dma_semaphore, #tpu.memory_space<semaphore_mem>>)
      %dma_wait3A_101 = arith.constant 0 : i32
      %dma_wait3A_102 = tpu.memref_slice %arg4[%add3A_41, %dma_wait3A_101] : memref<16384x768xf32, #tpu.memory_space<hbm>> -> memref<64x768xf32, #tpu.memory_space<hbm>>
      %dma_wait3A_103 = arith.constant 0 : i32
      %dma_wait3A_104 = tpu.memref_slice %arg4[%add3A_41, %dma_wait3A_103] : memref<16384x768xf32, #tpu.memory_space<hbm>> -> memref<64x768xf32, #tpu.memory_space<hbm>>
      tpu.wait_dma2 semaphore(%run_scoped3A : memref<!tpu.dma_semaphore, #tpu.memory_space<semaphore_mem>>) src(%arg6 : memref<64x768xf32, #tpu.memory_space<vmem>>) dst(%dma_wait3A_104 : memref<64x768xf32, #tpu.memory_space<hbm>>)
      tpu.yield
    }) : () -> ()
    %dma_start3A_42 = arith.constant 256 : i32
    %dma_start3A_43 = tpu.memref_slice %arg5[%dma_start3A_42] : memref<512xi32, #tpu.memory_space<vmem>> -> memref<64xi32, #tpu.memory_space<vmem>>
    %dma_start3A_44 = arith.constant 0 : i32
    %dma_start3A_45 = arith.constant 0 : i32
    %dma_start3A_46 = tpu.memref_slice %arg2[%dma_start3A_44, %dma_start3A_45] : memref<65536x768xf32, #tpu.memory_space<hbm>> -> memref<65536x768xf32, #tpu.memory_space<hbm>>
    tpu.enqueue_indirect_dma source(%dma_start3A_46 : memref<65536x768xf32, #tpu.memory_space<hbm>>) target(%arg6 : memref<64x768xf32, #tpu.memory_space<vmem>>) offsets(%dma_start3A_43 : memref<64xi32, #tpu.memory_space<vmem>>) semaphore(%arg8 : memref<!tpu.dma_semaphore, #tpu.memory_space<semaphore_mem>>)
    %dma_wait3A_47 = arith.constant 192 : i32
    %dma_wait3A_48 = tpu.memref_slice %arg5[%dma_wait3A_47] : memref<512xi32, #tpu.memory_space<vmem>> -> memref<64xi32, #tpu.memory_space<vmem>>
    %dma_wait3A_49 = arith.constant 0 : i32
    %dma_wait3A_50 = arith.constant 0 : i32
    %dma_wait3A_51 = tpu.memref_slice %arg2[%dma_wait3A_49, %dma_wait3A_50] : memref<65536x768xf32, #tpu.memory_space<hbm>> -> memref<65536x768xf32, #tpu.memory_space<hbm>>
    tpu.wait_indirect_dma semaphore(%arg9 : memref<!tpu.dma_semaphore, #tpu.memory_space<semaphore_mem>>) src(%dma_wait3A_51 : memref<65536x768xf32, #tpu.memory_space<hbm>>) dst(%arg7 : memref<64x768xf32, #tpu.memory_space<vmem>>)
    %add3A_52 = arith.constant 192 : i32
    %add3A_53 = arith.addi %mul3A_2, %add3A_52 : i32
    "tpu.region"() ({
      %run_scoped3A = tpu.sem_alloc : memref<!tpu.dma_semaphore, #tpu.memory_space<semaphore_mem>>
      %dma_start3A_97 = arith.constant 0 : i32
      %dma_start3A_98 = tpu.memref_slice %arg4[%add3A_53, %dma_start3A_97] : memref<16384x768xf32, #tpu.memory_space<hbm>> -> memref<64x768xf32, #tpu.memory_space<hbm>>
      %dma_start3A_99 = arith.constant 0 : i32
      %dma_start3A_100 = tpu.memref_slice %arg4[%add3A_53, %dma_start3A_99] : memref<16384x768xf32, #tpu.memory_space<hbm>> -> memref<64x768xf32, #tpu.memory_space<hbm>>
      tpu.enqueue_dma source(%arg7 : memref<64x768xf32, #tpu.memory_space<vmem>>) target(%dma_start3A_100 : memref<64x768xf32, #tpu.memory_space<hbm>>) target_semaphore(%run_scoped3A : memref<!tpu.dma_semaphore, #tpu.memory_space<semaphore_mem>>)
      %dma_wait3A_101 = arith.constant 0 : i32
      %dma_wait3A_102 = tpu.memref_slice %arg4[%add3A_53, %dma_wait3A_101] : memref<16384x768xf32, #tpu.memory_space<hbm>> -> memref<64x768xf32, #tpu.memory_space<hbm>>
      %dma_wait3A_103 = arith.constant 0 : i32
      %dma_wait3A_104 = tpu.memref_slice %arg4[%add3A_53, %dma_wait3A_103] : memref<16384x768xf32, #tpu.memory_space<hbm>> -> memref<64x768xf32, #tpu.memory_space<hbm>>
      tpu.wait_dma2 semaphore(%run_scoped3A : memref<!tpu.dma_semaphore, #tpu.memory_space<semaphore_mem>>) src(%arg7 : memref<64x768xf32, #tpu.memory_space<vmem>>) dst(%dma_wait3A_104 : memref<64x768xf32, #tpu.memory_space<hbm>>)
      tpu.yield
    }) : () -> ()
    %dma_start3A_54 = arith.constant 320 : i32
    %dma_start3A_55 = tpu.memref_slice %arg5[%dma_start3A_54] : memref<512xi32, #tpu.memory_space<vmem>> -> memref<64xi32, #tpu.memory_space<vmem>>
    %dma_start3A_56 = arith.constant 0 : i32
    %dma_start3A_57 = arith.constant 0 : i32
    %dma_start3A_58 = tpu.memref_slice %arg2[%dma_start3A_56, %dma_start3A_57] : memref<65536x768xf32, #tpu.memory_space<hbm>> -> memref<65536x768xf32, #tpu.memory_space<hbm>>
    tpu.enqueue_indirect_dma source(%dma_start3A_58 : memref<65536x768xf32, #tpu.memory_space<hbm>>) target(%arg7 : memref<64x768xf32, #tpu.memory_space<vmem>>) offsets(%dma_start3A_55 : memref<64xi32, #tpu.memory_space<vmem>>) semaphore(%arg9 : memref<!tpu.dma_semaphore, #tpu.memory_space<semaphore_mem>>)
    %dma_wait3A_59 = arith.constant 256 : i32
    %dma_wait3A_60 = tpu.memref_slice %arg5[%dma_wait3A_59] : memref<512xi32, #tpu.memory_space<vmem>> -> memref<64xi32, #tpu.memory_space<vmem>>
    %dma_wait3A_61 = arith.constant 0 : i32
    %dma_wait3A_62 = arith.constant 0 : i32
    %dma_wait3A_63 = tpu.memref_slice %arg2[%dma_wait3A_61, %dma_wait3A_62] : memref<65536x768xf32, #tpu.memory_space<hbm>> -> memref<65536x768xf32, #tpu.memory_space<hbm>>
    tpu.wait_indirect_dma semaphore(%arg8 : memref<!tpu.dma_semaphore, #tpu.memory_space<semaphore_mem>>) src(%dma_wait3A_63 : memref<65536x768xf32, #tpu.memory_space<hbm>>) dst(%arg6 : memref<64x768xf32, #tpu.memory_space<vmem>>)
    %add3A_64 = arith.constant 256 : i32
    %add3A_65 = arith.addi %mul3A_2, %add3A_64 : i32
    "tpu.region"() ({
      %run_scoped3A = tpu.sem_alloc : memref<!tpu.dma_semaphore, #tpu.memory_space<semaphore_mem>>
      %dma_start3A_97 = arith.constant 0 : i32
      %dma_start3A_98 = tpu.memref_slice %arg4[%add3A_65, %dma_start3A_97] : memref<16384x768xf32, #tpu.memory_space<hbm>> -> memref<64x768xf32, #tpu.memory_space<hbm>>
      %dma_start3A_99 = arith.constant 0 : i32
      %dma_start3A_100 = tpu.memref_slice %arg4[%add3A_65, %dma_start3A_99] : memref<16384x768xf32, #tpu.memory_space<hbm>> -> memref<64x768xf32, #tpu.memory_space<hbm>>
      tpu.enqueue_dma source(%arg6 : memref<64x768xf32, #tpu.memory_space<vmem>>) target(%dma_start3A_100 : memref<64x768xf32, #tpu.memory_space<hbm>>) target_semaphore(%run_scoped3A : memref<!tpu.dma_semaphore, #tpu.memory_space<semaphore_mem>>)
      %dma_wait3A_101 = arith.constant 0 : i32
      %dma_wait3A_102 = tpu.memref_slice %arg4[%add3A_65, %dma_wait3A_101] : memref<16384x768xf32, #tpu.memory_space<hbm>> -> memref<64x768xf32, #tpu.memory_space<hbm>>
      %dma_wait3A_103 = arith.constant 0 : i32
      %dma_wait3A_104 = tpu.memref_slice %arg4[%add3A_65, %dma_wait3A_103] : memref<16384x768xf32, #tpu.memory_space<hbm>> -> memref<64x768xf32, #tpu.memory_space<hbm>>
      tpu.wait_dma2 semaphore(%run_scoped3A : memref<!tpu.dma_semaphore, #tpu.memory_space<semaphore_mem>>) src(%arg6 : memref<64x768xf32, #tpu.memory_space<vmem>>) dst(%dma_wait3A_104 : memref<64x768xf32, #tpu.memory_space<hbm>>)
      tpu.yield
    }) : () -> ()
    %dma_start3A_66 = arith.constant 384 : i32
    %dma_start3A_67 = tpu.memref_slice %arg5[%dma_start3A_66] : memref<512xi32, #tpu.memory_space<vmem>> -> memref<64xi32, #tpu.memory_space<vmem>>
    %dma_start3A_68 = arith.constant 0 : i32
    %dma_start3A_69 = arith.constant 0 : i32
    %dma_start3A_70 = tpu.memref_slice %arg2[%dma_start3A_68, %dma_start3A_69] : memref<65536x768xf32, #tpu.memory_space<hbm>> -> memref<65536x768xf32, #tpu.memory_space<hbm>>
    tpu.enqueue_indirect_dma source(%dma_start3A_70 : memref<65536x768xf32, #tpu.memory_space<hbm>>) target(%arg6 : memref<64x768xf32, #tpu.memory_space<vmem>>) offsets(%dma_start3A_67 : memref<64xi32, #tpu.memory_space<vmem>>) semaphore(%arg8 : memref<!tpu.dma_semaphore, #tpu.memory_space<semaphore_mem>>)
    %dma_wait3A_71 = arith.constant 320 : i32
    %dma_wait3A_72 = tpu.memref_slice %arg5[%dma_wait3A_71] : memref<512xi32, #tpu.memory_space<vmem>> -> memref<64xi32, #tpu.memory_space<vmem>>
    %dma_wait3A_73 = arith.constant 0 : i32
    %dma_wait3A_74 = arith.constant 0 : i32
    %dma_wait3A_75 = tpu.memref_slice %arg2[%dma_wait3A_73, %dma_wait3A_74] : memref<65536x768xf32, #tpu.memory_space<hbm>> -> memref<65536x768xf32, #tpu.memory_space<hbm>>
    tpu.wait_indirect_dma semaphore(%arg9 : memref<!tpu.dma_semaphore, #tpu.memory_space<semaphore_mem>>) src(%dma_wait3A_75 : memref<65536x768xf32, #tpu.memory_space<hbm>>) dst(%arg7 : memref<64x768xf32, #tpu.memory_space<vmem>>)
    %add3A_76 = arith.constant 320 : i32
    %add3A_77 = arith.addi %mul3A_2, %add3A_76 : i32
    "tpu.region"() ({
      %run_scoped3A = tpu.sem_alloc : memref<!tpu.dma_semaphore, #tpu.memory_space<semaphore_mem>>
      %dma_start3A_97 = arith.constant 0 : i32
      %dma_start3A_98 = tpu.memref_slice %arg4[%add3A_77, %dma_start3A_97] : memref<16384x768xf32, #tpu.memory_space<hbm>> -> memref<64x768xf32, #tpu.memory_space<hbm>>
      %dma_start3A_99 = arith.constant 0 : i32
      %dma_start3A_100 = tpu.memref_slice %arg4[%add3A_77, %dma_start3A_99] : memref<16384x768xf32, #tpu.memory_space<hbm>> -> memref<64x768xf32, #tpu.memory_space<hbm>>
      tpu.enqueue_dma source(%arg7 : memref<64x768xf32, #tpu.memory_space<vmem>>) target(%dma_start3A_100 : memref<64x768xf32, #tpu.memory_space<hbm>>) target_semaphore(%run_scoped3A : memref<!tpu.dma_semaphore, #tpu.memory_space<semaphore_mem>>)
      %dma_wait3A_101 = arith.constant 0 : i32
      %dma_wait3A_102 = tpu.memref_slice %arg4[%add3A_77, %dma_wait3A_101] : memref<16384x768xf32, #tpu.memory_space<hbm>> -> memref<64x768xf32, #tpu.memory_space<hbm>>
      %dma_wait3A_103 = arith.constant 0 : i32
      %dma_wait3A_104 = tpu.memref_slice %arg4[%add3A_77, %dma_wait3A_103] : memref<16384x768xf32, #tpu.memory_space<hbm>> -> memref<64x768xf32, #tpu.memory_space<hbm>>
      tpu.wait_dma2 semaphore(%run_scoped3A : memref<!tpu.dma_semaphore, #tpu.memory_space<semaphore_mem>>) src(%arg7 : memref<64x768xf32, #tpu.memory_space<vmem>>) dst(%dma_wait3A_104 : memref<64x768xf32, #tpu.memory_space<hbm>>)
      tpu.yield
    }) : () -> ()
    %dma_start3A_78 = arith.constant 448 : i32
    %dma_start3A_79 = tpu.memref_slice %arg5[%dma_start3A_78] : memref<512xi32, #tpu.memory_space<vmem>> -> memref<64xi32, #tpu.memory_space<vmem>>
    %dma_start3A_80 = arith.constant 0 : i32
    %dma_start3A_81 = arith.constant 0 : i32
    %dma_start3A_82 = tpu.memref_slice %arg2[%dma_start3A_80, %dma_start3A_81] : memref<65536x768xf32, #tpu.memory_space<hbm>> -> memref<65536x768xf32, #tpu.memory_space<hbm>>
    tpu.enqueue_indirect_dma source(%dma_start3A_82 : memref<65536x768xf32, #tpu.memory_space<hbm>>) target(%arg7 : memref<64x768xf32, #tpu.memory_space<vmem>>) offsets(%dma_start3A_79 : memref<64xi32, #tpu.memory_space<vmem>>) semaphore(%arg9 : memref<!tpu.dma_semaphore, #tpu.memory_space<semaphore_mem>>)
    %dma_wait3A_83 = arith.constant 384 : i32
    %dma_wait3A_84 = tpu.memref_slice %arg5[%dma_wait3A_83] : memref<512xi32, #tpu.memory_space<vmem>> -> memref<64xi32, #tpu.memory_space<vmem>>
    %dma_wait3A_85 = arith.constant 0 : i32
    %dma_wait3A_86 = arith.constant 0 : i32
    %dma_wait3A_87 = tpu.memref_slice %arg2[%dma_wait3A_85, %dma_wait3A_86] : memref<65536x768xf32, #tpu.memory_space<hbm>> -> memref<65536x768xf32, #tpu.memory_space<hbm>>
    tpu.wait_indirect_dma semaphore(%arg8 : memref<!tpu.dma_semaphore, #tpu.memory_space<semaphore_mem>>) src(%dma_wait3A_87 : memref<65536x768xf32, #tpu.memory_space<hbm>>) dst(%arg6 : memref<64x768xf32, #tpu.memory_space<vmem>>)
    %add3A_88 = arith.constant 384 : i32
    %add3A_89 = arith.addi %mul3A_2, %add3A_88 : i32
    "tpu.region"() ({
      %run_scoped3A = tpu.sem_alloc : memref<!tpu.dma_semaphore, #tpu.memory_space<semaphore_mem>>
      %dma_start3A_97 = arith.constant 0 : i32
      %dma_start3A_98 = tpu.memref_slice %arg4[%add3A_89, %dma_start3A_97] : memref<16384x768xf32, #tpu.memory_space<hbm>> -> memref<64x768xf32, #tpu.memory_space<hbm>>
      %dma_start3A_99 = arith.constant 0 : i32
      %dma_start3A_100 = tpu.memref_slice %arg4[%add3A_89, %dma_start3A_99] : memref<16384x768xf32, #tpu.memory_space<hbm>> -> memref<64x768xf32, #tpu.memory_space<hbm>>
      tpu.enqueue_dma source(%arg6 : memref<64x768xf32, #tpu.memory_space<vmem>>) target(%dma_start3A_100 : memref<64x768xf32, #tpu.memory_space<hbm>>) target_semaphore(%run_scoped3A : memref<!tpu.dma_semaphore, #tpu.memory_space<semaphore_mem>>)
      %dma_wait3A_101 = arith.constant 0 : i32
      %dma_wait3A_102 = tpu.memref_slice %arg4[%add3A_89, %dma_wait3A_101] : memref<16384x768xf32, #tpu.memory_space<hbm>> -> memref<64x768xf32, #tpu.memory_space<hbm>>
      %dma_wait3A_103 = arith.constant 0 : i32
      %dma_wait3A_104 = tpu.memref_slice %arg4[%add3A_89, %dma_wait3A_103] : memref<16384x768xf32, #tpu.memory_space<hbm>> -> memref<64x768xf32, #tpu.memory_space<hbm>>
      tpu.wait_dma2 semaphore(%run_scoped3A : memref<!tpu.dma_semaphore, #tpu.memory_space<semaphore_mem>>) src(%arg6 : memref<64x768xf32, #tpu.memory_space<vmem>>) dst(%dma_wait3A_104 : memref<64x768xf32, #tpu.memory_space<hbm>>)
      tpu.yield
    }) : () -> ()
    %dma_wait3A_90 = arith.constant 448 : i32
    %dma_wait3A_91 = tpu.memref_slice %arg5[%dma_wait3A_90] : memref<512xi32, #tpu.memory_space<vmem>> -> memref<64xi32, #tpu.memory_space<vmem>>
    %dma_wait3A_92 = arith.constant 0 : i32
    %dma_wait3A_93 = arith.constant 0 : i32
    %dma_wait3A_94 = tpu.memref_slice %arg2[%dma_wait3A_92, %dma_wait3A_93] : memref<65536x768xf32, #tpu.memory_space<hbm>> -> memref<65536x768xf32, #tpu.memory_space<hbm>>
    tpu.wait_indirect_dma semaphore(%arg9 : memref<!tpu.dma_semaphore, #tpu.memory_space<semaphore_mem>>) src(%dma_wait3A_94 : memref<65536x768xf32, #tpu.memory_space<hbm>>) dst(%arg7 : memref<64x768xf32, #tpu.memory_space<vmem>>)
    %add3A_95 = arith.constant 448 : i32
    %add3A_96 = arith.addi %mul3A_2, %add3A_95 : i32
    "tpu.region"() ({
      %run_scoped3A = tpu.sem_alloc : memref<!tpu.dma_semaphore, #tpu.memory_space<semaphore_mem>>
      %dma_start3A_97 = arith.constant 0 : i32
      %dma_start3A_98 = tpu.memref_slice %arg4[%add3A_96, %dma_start3A_97] : memref<16384x768xf32, #tpu.memory_space<hbm>> -> memref<64x768xf32, #tpu.memory_space<hbm>>
      %dma_start3A_99 = arith.constant 0 : i32
      %dma_start3A_100 = tpu.memref_slice %arg4[%add3A_96, %dma_start3A_99] : memref<16384x768xf32, #tpu.memory_space<hbm>> -> memref<64x768xf32, #tpu.memory_space<hbm>>
      tpu.enqueue_dma source(%arg7 : memref<64x768xf32, #tpu.memory_space<vmem>>) target(%dma_start3A_100 : memref<64x768xf32, #tpu.memory_space<hbm>>) target_semaphore(%run_scoped3A : memref<!tpu.dma_semaphore, #tpu.memory_space<semaphore_mem>>)
      %dma_wait3A_101 = arith.constant 0 : i32
      %dma_wait3A_102 = tpu.memref_slice %arg4[%add3A_96, %dma_wait3A_101] : memref<16384x768xf32, #tpu.memory_space<hbm>> -> memref<64x768xf32, #tpu.memory_space<hbm>>
      %dma_wait3A_103 = arith.constant 0 : i32
      %dma_wait3A_104 = tpu.memref_slice %arg4[%add3A_96, %dma_wait3A_103] : memref<16384x768xf32, #tpu.memory_space<hbm>> -> memref<64x768xf32, #tpu.memory_space<hbm>>
      tpu.wait_dma2 semaphore(%run_scoped3A : memref<!tpu.dma_semaphore, #tpu.memory_space<semaphore_mem>>) src(%arg7 : memref<64x768xf32, #tpu.memory_space<vmem>>) dst(%dma_wait3A_104 : memref<64x768xf32, #tpu.memory_space<hbm>>)
      tpu.yield
    }) : () -> ()
    return
  }
}

module attributes {stable_mosaic.version = 14 : i64} {
  func.func @_score_body(%arg0: i32, %arg1: memref<1x1024x768xf32, #tpu.memory_space<vmem>>, %arg2: memref<1152x128xbf16, #tpu.memory_space<vmem>>, %arg3: memref<1x1x1024xi32, #tpu.memory_space<vmem>>, %arg4: memref<1x1x1024xf32, #tpu.memory_space<vmem>>, %arg5: memref<1x1x256xi32, #tpu.memory_space<vmem>>) attributes {dimension_semantics = [#tpu.dimension_semantics<arbitrary>], iteration_bounds = array<i64: 64>, scalar_prefetch = 0 : i64, scratch_operands = 0 : i64, tpu.core_type = #tpu.core_type<tc>, window_params = [{transform_indices = @transform_0, window_bounds = array<i64: 1, 1024, 768>}, {pipeline_mode = #tpu.pipeline_mode<synchronous>, transform_indices = @transform_1, window_bounds = array<i64: 1152, 128>}, {transform_indices = @transform_2, window_bounds = array<i64: 1, 1, 1024>}, {transform_indices = @transform_3, window_bounds = array<i64: 1, 1, 1024>}, {transform_indices = @transform_4, window_bounds = array<i64: 1, 1, 256>}]} {
    %get3A = arith.constant 0 : index
    %get3A_0 = arith.constant 0 : index
    %get3A_1 = arith.constant 0 : index
    %get3A_2 = vector.load %arg1[%get3A, %get3A_0, %get3A_1] : memref<1x1024x768xf32, #tpu.memory_space<vmem>>, vector<1x1024x768xf32>
    %get3A_3 = vector.shape_cast %get3A_2 : vector<1x1024x768xf32> to vector<1024x768xf32>
    %reduce_min3A = arith.constant dense<0x7F800000> : vector<1024xf32>
    %reduce_min3A_4 = vector.multi_reduction <minimumf>, %get3A_3, %reduce_min3A [1] : vector<1024x768xf32> to vector<1024xf32>
    %broadcast_in_dim3A = vector.shape_cast %reduce_min3A_4 : vector<1024xf32> to vector<1024x1xf32>
    %reduce_max3A = arith.constant dense<0xFF800000> : vector<1024xf32>
    %reduce_max3A_5 = vector.multi_reduction <maximumf>, %get3A_3, %reduce_max3A [1] : vector<1024x768xf32> to vector<1024xf32>
    %broadcast_in_dim3A_6 = vector.shape_cast %reduce_max3A_5 : vector<1024xf32> to vector<1024x1xf32>
    %sub3A = vector.broadcast %broadcast_in_dim3A : vector<1024x1xf32> to vector<1024x768xf32>
    %sub3A_7 = arith.subf %get3A_3, %sub3A : vector<1024x768xf32>
    %sub3A_8 = arith.subf %broadcast_in_dim3A_6, %broadcast_in_dim3A : vector<1024x1xf32>
    %add3A = arith.constant 9.99999968E-20 : f32
    %add3A_9 = vector.broadcast %add3A : f32 to vector<1024x1xf32>
    %add3A_10 = arith.addf %sub3A_8, %add3A_9 : vector<1024x1xf32>
    %div3A = vector.broadcast %add3A_10 : vector<1024x1xf32> to vector<1024x768xf32>
    %div3A_11 = arith.divf %sub3A_7, %div3A : vector<1024x768xf32>
    %mul3A = arith.constant 9.000000e+00 : f32
    %mul3A_12 = vector.broadcast %mul3A : f32 to vector<1024x768xf32>
    %mul3A_13 = arith.mulf %div3A_11, %mul3A_12 : vector<1024x768xf32>
    %ge3A = arith.constant 1.000000e+00 : f32
    %ge3A_14 = vector.broadcast %ge3A : f32 to vector<1024x768xf32>
    %ge3A_15 = arith.cmpf oge, %mul3A_13, %ge3A_14 : vector<1024x768xf32>
    %convert_element_type3A = arith.extui %ge3A_15 : vector<1024x768xi1> to vector<1024x768xi32>
    %convert_element_type3A_16 = arith.sitofp %convert_element_type3A : vector<1024x768xi32> to vector<1024x768xf32>
    %convert_element_type3A_17 = arith.truncf %convert_element_type3A_16 : vector<1024x768xf32> to vector<1024x768xbf16>
    %slice3A = vector.extract_strided_slice %convert_element_type3A_17 {offsets = [0, 0], sizes = [1024, 128], strides = [1, 1]} : vector<1024x768xbf16> to vector<1024x128xbf16>
    %slice3A_18 = vector.extract_strided_slice %convert_element_type3A_17 {offsets = [0, 128], sizes = [1024, 128], strides = [1, 1]} : vector<1024x768xbf16> to vector<1024x128xbf16>
    %add3A_19 = arith.addf %slice3A, %slice3A_18 : vector<1024x128xbf16>
    %slice3A_20 = vector.extract_strided_slice %convert_element_type3A_17 {offsets = [0, 256], sizes = [1024, 128], strides = [1, 1]} : vector<1024x768xbf16> to vector<1024x128xbf16>
    %add3A_21 = arith.addf %add3A_19, %slice3A_20 : vector<1024x128xbf16>
    %slice3A_22 = vector.extract_strided_slice %convert_element_type3A_17 {offsets = [0, 384], sizes = [1024, 128], strides = [1, 1]} : vector<1024x768xbf16> to vector<1024x128xbf16>
    %add3A_23 = arith.addf %add3A_21, %slice3A_22 : vector<1024x128xbf16>
    %slice3A_24 = vector.extract_strided_slice %convert_element_type3A_17 {offsets = [0, 512], sizes = [1024, 128], strides = [1, 1]} : vector<1024x768xbf16> to vector<1024x128xbf16>
    %add3A_25 = arith.addf %add3A_23, %slice3A_24 : vector<1024x128xbf16>
    %slice3A_26 = vector.extract_strided_slice %convert_element_type3A_17 {offsets = [0, 640], sizes = [1024, 128], strides = [1, 1]} : vector<1024x768xbf16> to vector<1024x128xbf16>
    %add3A_27 = arith.addf %add3A_25, %slice3A_26 : vector<1024x128xbf16>
    %ge3A_28 = arith.constant 2.000000e+00 : f32
    %ge3A_29 = vector.broadcast %ge3A_28 : f32 to vector<1024x768xf32>
    %ge3A_30 = arith.cmpf oge, %mul3A_13, %ge3A_29 : vector<1024x768xf32>
    %convert_element_type3A_31 = arith.extui %ge3A_30 : vector<1024x768xi1> to vector<1024x768xi32>
    %convert_element_type3A_32 = arith.sitofp %convert_element_type3A_31 : vector<1024x768xi32> to vector<1024x768xf32>
    %convert_element_type3A_33 = arith.truncf %convert_element_type3A_32 : vector<1024x768xf32> to vector<1024x768xbf16>
    %slice3A_34 = vector.extract_strided_slice %convert_element_type3A_33 {offsets = [0, 0], sizes = [1024, 128], strides = [1, 1]} : vector<1024x768xbf16> to vector<1024x128xbf16>
    %slice3A_35 = vector.extract_strided_slice %convert_element_type3A_33 {offsets = [0, 128], sizes = [1024, 128], strides = [1, 1]} : vector<1024x768xbf16> to vector<1024x128xbf16>
    %add3A_36 = arith.addf %slice3A_34, %slice3A_35 : vector<1024x128xbf16>
    %slice3A_37 = vector.extract_strided_slice %convert_element_type3A_33 {offsets = [0, 256], sizes = [1024, 128], strides = [1, 1]} : vector<1024x768xbf16> to vector<1024x128xbf16>
    %add3A_38 = arith.addf %add3A_36, %slice3A_37 : vector<1024x128xbf16>
    %slice3A_39 = vector.extract_strided_slice %convert_element_type3A_33 {offsets = [0, 384], sizes = [1024, 128], strides = [1, 1]} : vector<1024x768xbf16> to vector<1024x128xbf16>
    %add3A_40 = arith.addf %add3A_38, %slice3A_39 : vector<1024x128xbf16>
    %slice3A_41 = vector.extract_strided_slice %convert_element_type3A_33 {offsets = [0, 512], sizes = [1024, 128], strides = [1, 1]} : vector<1024x768xbf16> to vector<1024x128xbf16>
    %add3A_42 = arith.addf %add3A_40, %slice3A_41 : vector<1024x128xbf16>
    %slice3A_43 = vector.extract_strided_slice %convert_element_type3A_33 {offsets = [0, 640], sizes = [1024, 128], strides = [1, 1]} : vector<1024x768xbf16> to vector<1024x128xbf16>
    %add3A_44 = arith.addf %add3A_42, %slice3A_43 : vector<1024x128xbf16>
    %ge3A_45 = arith.constant 3.000000e+00 : f32
    %ge3A_46 = vector.broadcast %ge3A_45 : f32 to vector<1024x768xf32>
    %ge3A_47 = arith.cmpf oge, %mul3A_13, %ge3A_46 : vector<1024x768xf32>
    %convert_element_type3A_48 = arith.extui %ge3A_47 : vector<1024x768xi1> to vector<1024x768xi32>
    %convert_element_type3A_49 = arith.sitofp %convert_element_type3A_48 : vector<1024x768xi32> to vector<1024x768xf32>
    %convert_element_type3A_50 = arith.truncf %convert_element_type3A_49 : vector<1024x768xf32> to vector<1024x768xbf16>
    %slice3A_51 = vector.extract_strided_slice %convert_element_type3A_50 {offsets = [0, 0], sizes = [1024, 128], strides = [1, 1]} : vector<1024x768xbf16> to vector<1024x128xbf16>
    %slice3A_52 = vector.extract_strided_slice %convert_element_type3A_50 {offsets = [0, 128], sizes = [1024, 128], strides = [1, 1]} : vector<1024x768xbf16> to vector<1024x128xbf16>
    %add3A_53 = arith.addf %slice3A_51, %slice3A_52 : vector<1024x128xbf16>
    %slice3A_54 = vector.extract_strided_slice %convert_element_type3A_50 {offsets = [0, 256], sizes = [1024, 128], strides = [1, 1]} : vector<1024x768xbf16> to vector<1024x128xbf16>
    %add3A_55 = arith.addf %add3A_53, %slice3A_54 : vector<1024x128xbf16>
    %slice3A_56 = vector.extract_strided_slice %convert_element_type3A_50 {offsets = [0, 384], sizes = [1024, 128], strides = [1, 1]} : vector<1024x768xbf16> to vector<1024x128xbf16>
    %add3A_57 = arith.addf %add3A_55, %slice3A_56 : vector<1024x128xbf16>
    %slice3A_58 = vector.extract_strided_slice %convert_element_type3A_50 {offsets = [0, 512], sizes = [1024, 128], strides = [1, 1]} : vector<1024x768xbf16> to vector<1024x128xbf16>
    %add3A_59 = arith.addf %add3A_57, %slice3A_58 : vector<1024x128xbf16>
    %slice3A_60 = vector.extract_strided_slice %convert_element_type3A_50 {offsets = [0, 640], sizes = [1024, 128], strides = [1, 1]} : vector<1024x768xbf16> to vector<1024x128xbf16>
    %add3A_61 = arith.addf %add3A_59, %slice3A_60 : vector<1024x128xbf16>
    %ge3A_62 = arith.constant 4.000000e+00 : f32
    %ge3A_63 = vector.broadcast %ge3A_62 : f32 to vector<1024x768xf32>
    %ge3A_64 = arith.cmpf oge, %mul3A_13, %ge3A_63 : vector<1024x768xf32>
    %convert_element_type3A_65 = arith.extui %ge3A_64 : vector<1024x768xi1> to vector<1024x768xi32>
    %convert_element_type3A_66 = arith.sitofp %convert_element_type3A_65 : vector<1024x768xi32> to vector<1024x768xf32>
    %convert_element_type3A_67 = arith.truncf %convert_element_type3A_66 : vector<1024x768xf32> to vector<1024x768xbf16>
    %slice3A_68 = vector.extract_strided_slice %convert_element_type3A_67 {offsets = [0, 0], sizes = [1024, 128], strides = [1, 1]} : vector<1024x768xbf16> to vector<1024x128xbf16>
    %slice3A_69 = vector.extract_strided_slice %convert_element_type3A_67 {offsets = [0, 128], sizes = [1024, 128], strides = [1, 1]} : vector<1024x768xbf16> to vector<1024x128xbf16>
    %add3A_70 = arith.addf %slice3A_68, %slice3A_69 : vector<1024x128xbf16>
    %slice3A_71 = vector.extract_strided_slice %convert_element_type3A_67 {offsets = [0, 256], sizes = [1024, 128], strides = [1, 1]} : vector<1024x768xbf16> to vector<1024x128xbf16>
    %add3A_72 = arith.addf %add3A_70, %slice3A_71 : vector<1024x128xbf16>
    %slice3A_73 = vector.extract_strided_slice %convert_element_type3A_67 {offsets = [0, 384], sizes = [1024, 128], strides = [1, 1]} : vector<1024x768xbf16> to vector<1024x128xbf16>
    %add3A_74 = arith.addf %add3A_72, %slice3A_73 : vector<1024x128xbf16>
    %slice3A_75 = vector.extract_strided_slice %convert_element_type3A_67 {offsets = [0, 512], sizes = [1024, 128], strides = [1, 1]} : vector<1024x768xbf16> to vector<1024x128xbf16>
    %add3A_76 = arith.addf %add3A_74, %slice3A_75 : vector<1024x128xbf16>
    %slice3A_77 = vector.extract_strided_slice %convert_element_type3A_67 {offsets = [0, 640], sizes = [1024, 128], strides = [1, 1]} : vector<1024x768xbf16> to vector<1024x128xbf16>
    %add3A_78 = arith.addf %add3A_76, %slice3A_77 : vector<1024x128xbf16>
    %ge3A_79 = arith.constant 5.000000e+00 : f32
    %ge3A_80 = vector.broadcast %ge3A_79 : f32 to vector<1024x768xf32>
    %ge3A_81 = arith.cmpf oge, %mul3A_13, %ge3A_80 : vector<1024x768xf32>
    %convert_element_type3A_82 = arith.extui %ge3A_81 : vector<1024x768xi1> to vector<1024x768xi32>
    %convert_element_type3A_83 = arith.sitofp %convert_element_type3A_82 : vector<1024x768xi32> to vector<1024x768xf32>
    %convert_element_type3A_84 = arith.truncf %convert_element_type3A_83 : vector<1024x768xf32> to vector<1024x768xbf16>
    %slice3A_85 = vector.extract_strided_slice %convert_element_type3A_84 {offsets = [0, 0], sizes = [1024, 128], strides = [1, 1]} : vector<1024x768xbf16> to vector<1024x128xbf16>
    %slice3A_86 = vector.extract_strided_slice %convert_element_type3A_84 {offsets = [0, 128], sizes = [1024, 128], strides = [1, 1]} : vector<1024x768xbf16> to vector<1024x128xbf16>
    %add3A_87 = arith.addf %slice3A_85, %slice3A_86 : vector<1024x128xbf16>
    %slice3A_88 = vector.extract_strided_slice %convert_element_type3A_84 {offsets = [0, 256], sizes = [1024, 128], strides = [1, 1]} : vector<1024x768xbf16> to vector<1024x128xbf16>
    %add3A_89 = arith.addf %add3A_87, %slice3A_88 : vector<1024x128xbf16>
    %slice3A_90 = vector.extract_strided_slice %convert_element_type3A_84 {offsets = [0, 384], sizes = [1024, 128], strides = [1, 1]} : vector<1024x768xbf16> to vector<1024x128xbf16>
    %add3A_91 = arith.addf %add3A_89, %slice3A_90 : vector<1024x128xbf16>
    %slice3A_92 = vector.extract_strided_slice %convert_element_type3A_84 {offsets = [0, 512], sizes = [1024, 128], strides = [1, 1]} : vector<1024x768xbf16> to vector<1024x128xbf16>
    %add3A_93 = arith.addf %add3A_91, %slice3A_92 : vector<1024x128xbf16>
    %slice3A_94 = vector.extract_strided_slice %convert_element_type3A_84 {offsets = [0, 640], sizes = [1024, 128], strides = [1, 1]} : vector<1024x768xbf16> to vector<1024x128xbf16>
    %add3A_95 = arith.addf %add3A_93, %slice3A_94 : vector<1024x128xbf16>
    %ge3A_96 = arith.constant 6.000000e+00 : f32
    %ge3A_97 = vector.broadcast %ge3A_96 : f32 to vector<1024x768xf32>
    %ge3A_98 = arith.cmpf oge, %mul3A_13, %ge3A_97 : vector<1024x768xf32>
    %convert_element_type3A_99 = arith.extui %ge3A_98 : vector<1024x768xi1> to vector<1024x768xi32>
    %convert_element_type3A_100 = arith.sitofp %convert_element_type3A_99 : vector<1024x768xi32> to vector<1024x768xf32>
    %convert_element_type3A_101 = arith.truncf %convert_element_type3A_100 : vector<1024x768xf32> to vector<1024x768xbf16>
    %slice3A_102 = vector.extract_strided_slice %convert_element_type3A_101 {offsets = [0, 0], sizes = [1024, 128], strides = [1, 1]} : vector<1024x768xbf16> to vector<1024x128xbf16>
    %slice3A_103 = vector.extract_strided_slice %convert_element_type3A_101 {offsets = [0, 128], sizes = [1024, 128], strides = [1, 1]} : vector<1024x768xbf16> to vector<1024x128xbf16>
    %add3A_104 = arith.addf %slice3A_102, %slice3A_103 : vector<1024x128xbf16>
    %slice3A_105 = vector.extract_strided_slice %convert_element_type3A_101 {offsets = [0, 256], sizes = [1024, 128], strides = [1, 1]} : vector<1024x768xbf16> to vector<1024x128xbf16>
    %add3A_106 = arith.addf %add3A_104, %slice3A_105 : vector<1024x128xbf16>
    %slice3A_107 = vector.extract_strided_slice %convert_element_type3A_101 {offsets = [0, 384], sizes = [1024, 128], strides = [1, 1]} : vector<1024x768xbf16> to vector<1024x128xbf16>
    %add3A_108 = arith.addf %add3A_106, %slice3A_107 : vector<1024x128xbf16>
    %slice3A_109 = vector.extract_strided_slice %convert_element_type3A_101 {offsets = [0, 512], sizes = [1024, 128], strides = [1, 1]} : vector<1024x768xbf16> to vector<1024x128xbf16>
    %add3A_110 = arith.addf %add3A_108, %slice3A_109 : vector<1024x128xbf16>
    %slice3A_111 = vector.extract_strided_slice %convert_element_type3A_101 {offsets = [0, 640], sizes = [1024, 128], strides = [1, 1]} : vector<1024x768xbf16> to vector<1024x128xbf16>
    %add3A_112 = arith.addf %add3A_110, %slice3A_111 : vector<1024x128xbf16>
    %ge3A_113 = arith.constant 7.000000e+00 : f32
    %ge3A_114 = vector.broadcast %ge3A_113 : f32 to vector<1024x768xf32>
    %ge3A_115 = arith.cmpf oge, %mul3A_13, %ge3A_114 : vector<1024x768xf32>
    %convert_element_type3A_116 = arith.extui %ge3A_115 : vector<1024x768xi1> to vector<1024x768xi32>
    %convert_element_type3A_117 = arith.sitofp %convert_element_type3A_116 : vector<1024x768xi32> to vector<1024x768xf32>
    %convert_element_type3A_118 = arith.truncf %convert_element_type3A_117 : vector<1024x768xf32> to vector<1024x768xbf16>
    %slice3A_119 = vector.extract_strided_slice %convert_element_type3A_118 {offsets = [0, 0], sizes = [1024, 128], strides = [1, 1]} : vector<1024x768xbf16> to vector<1024x128xbf16>
    %slice3A_120 = vector.extract_strided_slice %convert_element_type3A_118 {offsets = [0, 128], sizes = [1024, 128], strides = [1, 1]} : vector<1024x768xbf16> to vector<1024x128xbf16>
    %add3A_121 = arith.addf %slice3A_119, %slice3A_120 : vector<1024x128xbf16>
    %slice3A_122 = vector.extract_strided_slice %convert_element_type3A_118 {offsets = [0, 256], sizes = [1024, 128], strides = [1, 1]} : vector<1024x768xbf16> to vector<1024x128xbf16>
    %add3A_123 = arith.addf %add3A_121, %slice3A_122 : vector<1024x128xbf16>
    %slice3A_124 = vector.extract_strided_slice %convert_element_type3A_118 {offsets = [0, 384], sizes = [1024, 128], strides = [1, 1]} : vector<1024x768xbf16> to vector<1024x128xbf16>
    %add3A_125 = arith.addf %add3A_123, %slice3A_124 : vector<1024x128xbf16>
    %slice3A_126 = vector.extract_strided_slice %convert_element_type3A_118 {offsets = [0, 512], sizes = [1024, 128], strides = [1, 1]} : vector<1024x768xbf16> to vector<1024x128xbf16>
    %add3A_127 = arith.addf %add3A_125, %slice3A_126 : vector<1024x128xbf16>
    %slice3A_128 = vector.extract_strided_slice %convert_element_type3A_118 {offsets = [0, 640], sizes = [1024, 128], strides = [1, 1]} : vector<1024x768xbf16> to vector<1024x128xbf16>
    %add3A_129 = arith.addf %add3A_127, %slice3A_128 : vector<1024x128xbf16>
    %ge3A_130 = arith.constant 8.000000e+00 : f32
    %ge3A_131 = vector.broadcast %ge3A_130 : f32 to vector<1024x768xf32>
    %ge3A_132 = arith.cmpf oge, %mul3A_13, %ge3A_131 : vector<1024x768xf32>
    %convert_element_type3A_133 = arith.extui %ge3A_132 : vector<1024x768xi1> to vector<1024x768xi32>
    %convert_element_type3A_134 = arith.sitofp %convert_element_type3A_133 : vector<1024x768xi32> to vector<1024x768xf32>
    %convert_element_type3A_135 = arith.truncf %convert_element_type3A_134 : vector<1024x768xf32> to vector<1024x768xbf16>
    %slice3A_136 = vector.extract_strided_slice %convert_element_type3A_135 {offsets = [0, 0], sizes = [1024, 128], strides = [1, 1]} : vector<1024x768xbf16> to vector<1024x128xbf16>
    %slice3A_137 = vector.extract_strided_slice %convert_element_type3A_135 {offsets = [0, 128], sizes = [1024, 128], strides = [1, 1]} : vector<1024x768xbf16> to vector<1024x128xbf16>
    %add3A_138 = arith.addf %slice3A_136, %slice3A_137 : vector<1024x128xbf16>
    %slice3A_139 = vector.extract_strided_slice %convert_element_type3A_135 {offsets = [0, 256], sizes = [1024, 128], strides = [1, 1]} : vector<1024x768xbf16> to vector<1024x128xbf16>
    %add3A_140 = arith.addf %add3A_138, %slice3A_139 : vector<1024x128xbf16>
    %slice3A_141 = vector.extract_strided_slice %convert_element_type3A_135 {offsets = [0, 384], sizes = [1024, 128], strides = [1, 1]} : vector<1024x768xbf16> to vector<1024x128xbf16>
    %add3A_142 = arith.addf %add3A_140, %slice3A_141 : vector<1024x128xbf16>
    %slice3A_143 = vector.extract_strided_slice %convert_element_type3A_135 {offsets = [0, 512], sizes = [1024, 128], strides = [1, 1]} : vector<1024x768xbf16> to vector<1024x128xbf16>
    %add3A_144 = arith.addf %add3A_142, %slice3A_143 : vector<1024x128xbf16>
    %slice3A_145 = vector.extract_strided_slice %convert_element_type3A_135 {offsets = [0, 640], sizes = [1024, 128], strides = [1, 1]} : vector<1024x768xbf16> to vector<1024x128xbf16>
    %add3A_146 = arith.addf %add3A_144, %slice3A_145 : vector<1024x128xbf16>
    %ge3A_147 = arith.constant 9.000000e+00 : f32
    %ge3A_148 = vector.broadcast %ge3A_147 : f32 to vector<1024x768xf32>
    %ge3A_149 = arith.cmpf oge, %mul3A_13, %ge3A_148 : vector<1024x768xf32>
    %convert_element_type3A_150 = arith.extui %ge3A_149 : vector<1024x768xi1> to vector<1024x768xi32>
    %convert_element_type3A_151 = arith.sitofp %convert_element_type3A_150 : vector<1024x768xi32> to vector<1024x768xf32>
    %convert_element_type3A_152 = arith.truncf %convert_element_type3A_151 : vector<1024x768xf32> to vector<1024x768xbf16>
    %slice3A_153 = vector.extract_strided_slice %convert_element_type3A_152 {offsets = [0, 0], sizes = [1024, 128], strides = [1, 1]} : vector<1024x768xbf16> to vector<1024x128xbf16>
    %slice3A_154 = vector.extract_strided_slice %convert_element_type3A_152 {offsets = [0, 128], sizes = [1024, 128], strides = [1, 1]} : vector<1024x768xbf16> to vector<1024x128xbf16>
    %add3A_155 = arith.addf %slice3A_153, %slice3A_154 : vector<1024x128xbf16>
    %slice3A_156 = vector.extract_strided_slice %convert_element_type3A_152 {offsets = [0, 256], sizes = [1024, 128], strides = [1, 1]} : vector<1024x768xbf16> to vector<1024x128xbf16>
    %add3A_157 = arith.addf %add3A_155, %slice3A_156 : vector<1024x128xbf16>
    %slice3A_158 = vector.extract_strided_slice %convert_element_type3A_152 {offsets = [0, 384], sizes = [1024, 128], strides = [1, 1]} : vector<1024x768xbf16> to vector<1024x128xbf16>
    %add3A_159 = arith.addf %add3A_157, %slice3A_158 : vector<1024x128xbf16>
    %slice3A_160 = vector.extract_strided_slice %convert_element_type3A_152 {offsets = [0, 512], sizes = [1024, 128], strides = [1, 1]} : vector<1024x768xbf16> to vector<1024x128xbf16>
    %add3A_161 = arith.addf %add3A_159, %slice3A_160 : vector<1024x128xbf16>
    %slice3A_162 = vector.extract_strided_slice %convert_element_type3A_152 {offsets = [0, 640], sizes = [1024, 128], strides = [1, 1]} : vector<1024x768xbf16> to vector<1024x128xbf16>
    %add3A_163 = arith.addf %add3A_161, %slice3A_162 : vector<1024x128xbf16>
    %concatenate3A = tpu.concatenate %add3A_27, %add3A_44, %add3A_61, %add3A_78, %add3A_95, %add3A_112, %add3A_129, %add3A_146, %add3A_163 in 1 : vector<1024x128xbf16>, vector<1024x128xbf16>, vector<1024x128xbf16>, vector<1024x128xbf16>, vector<1024x128xbf16>, vector<1024x128xbf16>, vector<1024x128xbf16>, vector<1024x128xbf16>, vector<1024x128xbf16> -> vector<1024x1152xbf16>
    %get3A_164 = arith.constant 0 : index
    %get3A_165 = arith.constant 0 : index
    %get3A_166 = vector.load %arg2[%get3A_164, %get3A_165] : memref<1152x128xbf16, #tpu.memory_space<vmem>>, vector<1152x128xbf16>
    %dot_general3A = arith.constant dense<0.000000e+00> : vector<1024x128xf32>
    %dot_general3A_167 = tpu.matmul %concatenate3A, %get3A_166, %dot_general3A {dimension_numbers = #tpu.dot_dimension_numbers<[1], [0], [0], [1], [0, 0, 1, 1], [], []>, transpose_lhs_hint = false} : vector<1024x1152xbf16>, vector<1152x128xbf16>, vector<1024x128xf32> -> vector<1024x128xf32>
    %transpose3A = tpu.transpose %dot_general3A_167, [1, 0] : vector<1024x128xf32> -> vector<128x1024xf32>
    %slice3A_168 = vector.extract_strided_slice %transpose3A {offsets = [0, 0], sizes = [1, 1024], strides = [1, 1]} : vector<128x1024xf32> to vector<1x1024xf32>
    %slice3A_169 = vector.extract_strided_slice %transpose3A {offsets = [1, 0], sizes = [1, 1024], strides = [1, 1]} : vector<128x1024xf32> to vector<1x1024xf32>
    %slice3A_170 = vector.extract_strided_slice %transpose3A {offsets = [2, 0], sizes = [1, 1024], strides = [1, 1]} : vector<128x1024xf32> to vector<1x1024xf32>
    %slice3A_171 = vector.extract_strided_slice %transpose3A {offsets = [3, 0], sizes = [1, 1024], strides = [1, 1]} : vector<128x1024xf32> to vector<1x1024xf32>
    %slice3A_172 = vector.extract_strided_slice %transpose3A {offsets = [4, 0], sizes = [1, 1024], strides = [1, 1]} : vector<128x1024xf32> to vector<1x1024xf32>
    %slice3A_173 = vector.extract_strided_slice %transpose3A {offsets = [5, 0], sizes = [1, 1024], strides = [1, 1]} : vector<128x1024xf32> to vector<1x1024xf32>
    %slice3A_174 = vector.extract_strided_slice %transpose3A {offsets = [6, 0], sizes = [1, 1024], strides = [1, 1]} : vector<128x1024xf32> to vector<1x1024xf32>
    %slice3A_175 = vector.extract_strided_slice %transpose3A {offsets = [7, 0], sizes = [1, 1024], strides = [1, 1]} : vector<128x1024xf32> to vector<1x1024xf32>
    %slice3A_176 = vector.extract_strided_slice %transpose3A {offsets = [8, 0], sizes = [1, 1024], strides = [1, 1]} : vector<128x1024xf32> to vector<1x1024xf32>
    %sub3A_177 = arith.constant 7.680000e+02 : f32
    %sub3A_178 = vector.broadcast %sub3A_177 : f32 to vector<1x1024xf32>
    %sub3A_179 = arith.subf %sub3A_178, %slice3A_168 : vector<1x1024xf32>
    %sub3A_180 = arith.subf %slice3A_168, %slice3A_169 : vector<1x1024xf32>
    %sub3A_181 = arith.subf %slice3A_169, %slice3A_170 : vector<1x1024xf32>
    %sub3A_182 = arith.subf %slice3A_170, %slice3A_171 : vector<1x1024xf32>
    %sub3A_183 = arith.subf %slice3A_171, %slice3A_172 : vector<1x1024xf32>
    %sub3A_184 = arith.subf %slice3A_172, %slice3A_173 : vector<1x1024xf32>
    %sub3A_185 = arith.subf %slice3A_173, %slice3A_174 : vector<1x1024xf32>
    %sub3A_186 = arith.subf %slice3A_174, %slice3A_175 : vector<1x1024xf32>
    %sub3A_187 = arith.subf %slice3A_175, %slice3A_176 : vector<1x1024xf32>
    %add3A_188 = arith.addf %sub3A_179, %sub3A_180 : vector<1x1024xf32>
    %add3A_189 = arith.addf %add3A_188, %sub3A_181 : vector<1x1024xf32>
    %add3A_190 = arith.addf %add3A_189, %sub3A_182 : vector<1x1024xf32>
    %add3A_191 = arith.addf %add3A_190, %sub3A_183 : vector<1x1024xf32>
    %add3A_192 = arith.addf %add3A_191, %sub3A_184 : vector<1x1024xf32>
    %add3A_193 = arith.addf %add3A_192, %sub3A_185 : vector<1x1024xf32>
    %add3A_194 = arith.addf %add3A_193, %sub3A_186 : vector<1x1024xf32>
    %add3A_195 = arith.addf %add3A_194, %sub3A_187 : vector<1x1024xf32>
    %add3A_196 = arith.addf %add3A_195, %slice3A_176 : vector<1x1024xf32>
    %div3A_197 = arith.divf %sub3A_179, %add3A_196 : vector<1x1024xf32>
    %add3A_198 = arith.constant 9.99999971E-10 : f32
    %add3A_199 = vector.broadcast %add3A_198 : f32 to vector<1x1024xf32>
    %add3A_200 = arith.addf %div3A_197, %add3A_199 : vector<1x1024xf32>
    %log3A = math.log %add3A_200 : vector<1x1024xf32>
    %mul3A_201 = arith.mulf %div3A_197, %log3A : vector<1x1024xf32>
    %div3A_202 = arith.divf %sub3A_180, %add3A_196 : vector<1x1024xf32>
    %add3A_203 = arith.constant 9.99999971E-10 : f32
    %add3A_204 = vector.broadcast %add3A_203 : f32 to vector<1x1024xf32>
    %add3A_205 = arith.addf %div3A_202, %add3A_204 : vector<1x1024xf32>
    %log3A_206 = math.log %add3A_205 : vector<1x1024xf32>
    %mul3A_207 = arith.mulf %div3A_202, %log3A_206 : vector<1x1024xf32>
    %add3A_208 = arith.addf %mul3A_201, %mul3A_207 : vector<1x1024xf32>
    %div3A_209 = arith.divf %sub3A_181, %add3A_196 : vector<1x1024xf32>
    %add3A_210 = arith.constant 9.99999971E-10 : f32
    %add3A_211 = vector.broadcast %add3A_210 : f32 to vector<1x1024xf32>
    %add3A_212 = arith.addf %div3A_209, %add3A_211 : vector<1x1024xf32>
    %log3A_213 = math.log %add3A_212 : vector<1x1024xf32>
    %mul3A_214 = arith.mulf %div3A_209, %log3A_213 : vector<1x1024xf32>
    %add3A_215 = arith.addf %add3A_208, %mul3A_214 : vector<1x1024xf32>
    %div3A_216 = arith.divf %sub3A_182, %add3A_196 : vector<1x1024xf32>
    %add3A_217 = arith.constant 9.99999971E-10 : f32
    %add3A_218 = vector.broadcast %add3A_217 : f32 to vector<1x1024xf32>
    %add3A_219 = arith.addf %div3A_216, %add3A_218 : vector<1x1024xf32>
    %log3A_220 = math.log %add3A_219 : vector<1x1024xf32>
    %mul3A_221 = arith.mulf %div3A_216, %log3A_220 : vector<1x1024xf32>
    %add3A_222 = arith.addf %add3A_215, %mul3A_221 : vector<1x1024xf32>
    %div3A_223 = arith.divf %sub3A_183, %add3A_196 : vector<1x1024xf32>
    %add3A_224 = arith.constant 9.99999971E-10 : f32
    %add3A_225 = vector.broadcast %add3A_224 : f32 to vector<1x1024xf32>
    %add3A_226 = arith.addf %div3A_223, %add3A_225 : vector<1x1024xf32>
    %log3A_227 = math.log %add3A_226 : vector<1x1024xf32>
    %mul3A_228 = arith.mulf %div3A_223, %log3A_227 : vector<1x1024xf32>
    %add3A_229 = arith.addf %add3A_222, %mul3A_228 : vector<1x1024xf32>
    %div3A_230 = arith.divf %sub3A_184, %add3A_196 : vector<1x1024xf32>
    %add3A_231 = arith.constant 9.99999971E-10 : f32
    %add3A_232 = vector.broadcast %add3A_231 : f32 to vector<1x1024xf32>
    %add3A_233 = arith.addf %div3A_230, %add3A_232 : vector<1x1024xf32>
    %log3A_234 = math.log %add3A_233 : vector<1x1024xf32>
    %mul3A_235 = arith.mulf %div3A_230, %log3A_234 : vector<1x1024xf32>
    %add3A_236 = arith.addf %add3A_229, %mul3A_235 : vector<1x1024xf32>
    %div3A_237 = arith.divf %sub3A_185, %add3A_196 : vector<1x1024xf32>
    %add3A_238 = arith.constant 9.99999971E-10 : f32
    %add3A_239 = vector.broadcast %add3A_238 : f32 to vector<1x1024xf32>
    %add3A_240 = arith.addf %div3A_237, %add3A_239 : vector<1x1024xf32>
    %log3A_241 = math.log %add3A_240 : vector<1x1024xf32>
    %mul3A_242 = arith.mulf %div3A_237, %log3A_241 : vector<1x1024xf32>
    %add3A_243 = arith.addf %add3A_236, %mul3A_242 : vector<1x1024xf32>
    %div3A_244 = arith.divf %sub3A_186, %add3A_196 : vector<1x1024xf32>
    %add3A_245 = arith.constant 9.99999971E-10 : f32
    %add3A_246 = vector.broadcast %add3A_245 : f32 to vector<1x1024xf32>
    %add3A_247 = arith.addf %div3A_244, %add3A_246 : vector<1x1024xf32>
    %log3A_248 = math.log %add3A_247 : vector<1x1024xf32>
    %mul3A_249 = arith.mulf %div3A_244, %log3A_248 : vector<1x1024xf32>
    %add3A_250 = arith.addf %add3A_243, %mul3A_249 : vector<1x1024xf32>
    %div3A_251 = arith.divf %sub3A_187, %add3A_196 : vector<1x1024xf32>
    %add3A_252 = arith.constant 9.99999971E-10 : f32
    %add3A_253 = vector.broadcast %add3A_252 : f32 to vector<1x1024xf32>
    %add3A_254 = arith.addf %div3A_251, %add3A_253 : vector<1x1024xf32>
    %log3A_255 = math.log %add3A_254 : vector<1x1024xf32>
    %mul3A_256 = arith.mulf %div3A_251, %log3A_255 : vector<1x1024xf32>
    %add3A_257 = arith.addf %add3A_250, %mul3A_256 : vector<1x1024xf32>
    %div3A_258 = arith.divf %slice3A_176, %add3A_196 : vector<1x1024xf32>
    %add3A_259 = arith.constant 9.99999971E-10 : f32
    %add3A_260 = vector.broadcast %add3A_259 : f32 to vector<1x1024xf32>
    %add3A_261 = arith.addf %div3A_258, %add3A_260 : vector<1x1024xf32>
    %log3A_262 = math.log %add3A_261 : vector<1x1024xf32>
    %mul3A_263 = arith.mulf %div3A_258, %log3A_262 : vector<1x1024xf32>
    %add3A_264 = arith.addf %add3A_257, %mul3A_263 : vector<1x1024xf32>
    %neg3A = arith.constant 0.000000e+00 : f32
    %neg3A_265 = vector.broadcast %neg3A : f32 to vector<1x1024xf32>
    %neg3A_266 = arith.subf %neg3A_265, %add3A_264 : vector<1x1024xf32>
    %reshape3A = vector.shape_cast %neg3A_266 : vector<1x1024xf32> to vector<1024x1xf32>
    %iota3A = tpu.iota {dimensions = array<i32: 1>} : vector<1x1024xi32>
    %broadcast_in_dim3A_267 = arith.constant 0 : i32
    %broadcast_in_dim3A_268 = vector.broadcast %broadcast_in_dim3A_267 : i32 to vector<1x1024xi32>
    %slice3A_269 = vector.extract_strided_slice %reshape3A {offsets = [0, 0], sizes = [128, 1], strides = [1, 1]} : vector<1024x1xf32> to vector<128x1xf32>
    %iota3A_270 = tpu.iota {dimensions = array<i32: 0>} : vector<128x1xi32>
    %add3A_271 = arith.constant 0 : i32
    %add3A_272 = vector.broadcast %add3A_271 : i32 to vector<128x1xi32>
    %add3A_273 = arith.addi %add3A_272, %iota3A_270 : vector<128x1xi32>
    %gt3A = vector.broadcast %slice3A_269 : vector<128x1xf32> to vector<128x1024xf32>
    %gt3A_274 = vector.broadcast %neg3A_266 : vector<1x1024xf32> to vector<128x1024xf32>
    %gt3A_275 = arith.cmpf ogt, %gt3A, %gt3A_274 : vector<128x1024xf32>
    %eq3A = vector.broadcast %slice3A_269 : vector<128x1xf32> to vector<128x1024xf32>
    %eq3A_276 = vector.broadcast %neg3A_266 : vector<1x1024xf32> to vector<128x1024xf32>
    %eq3A_277 = arith.cmpf oeq, %eq3A, %eq3A_276 : vector<128x1024xf32>
    %lt3A = vector.broadcast %add3A_273 : vector<128x1xi32> to vector<128x1024xi32>
    %lt3A_278 = vector.broadcast %iota3A : vector<1x1024xi32> to vector<128x1024xi32>
    %lt3A_279 = arith.cmpi slt, %lt3A, %lt3A_278 : vector<128x1024xi32>
    %and3A = arith.andi %eq3A_277, %lt3A_279 : vector<128x1024xi1>
    %or3A = arith.ori %gt3A_275, %and3A : vector<128x1024xi1>
    %convert_element_type3A_280 = arith.extui %or3A : vector<128x1024xi1> to vector<128x1024xi32>
    %reduce_sum3A = arith.constant dense<0> : vector<1024xi32>
    %reduce_sum3A_281 = vector.multi_reduction <add>, %convert_element_type3A_280, %reduce_sum3A [0] : vector<128x1024xi32> to vector<1024xi32>
    %broadcast_in_dim3A_282 = vector.shape_cast %reduce_sum3A_281 : vector<1024xi32> to vector<1x1024xi32>
    %add3A_283 = arith.addi %broadcast_in_dim3A_268, %broadcast_in_dim3A_282 : vector<1x1024xi32>
    %slice3A_284 = vector.extract_strided_slice %reshape3A {offsets = [128, 0], sizes = [128, 1], strides = [1, 1]} : vector<1024x1xf32> to vector<128x1xf32>
    %iota3A_285 = tpu.iota {dimensions = array<i32: 0>} : vector<128x1xi32>
    %add3A_286 = arith.constant 128 : i32
    %add3A_287 = vector.broadcast %add3A_286 : i32 to vector<128x1xi32>
    %add3A_288 = arith.addi %add3A_287, %iota3A_285 : vector<128x1xi32>
    %gt3A_289 = vector.broadcast %slice3A_284 : vector<128x1xf32> to vector<128x1024xf32>
    %gt3A_290 = vector.broadcast %neg3A_266 : vector<1x1024xf32> to vector<128x1024xf32>
    %gt3A_291 = arith.cmpf ogt, %gt3A_289, %gt3A_290 : vector<128x1024xf32>
    %eq3A_292 = vector.broadcast %slice3A_284 : vector<128x1xf32> to vector<128x1024xf32>
    %eq3A_293 = vector.broadcast %neg3A_266 : vector<1x1024xf32> to vector<128x1024xf32>
    %eq3A_294 = arith.cmpf oeq, %eq3A_292, %eq3A_293 : vector<128x1024xf32>
    %lt3A_295 = vector.broadcast %add3A_288 : vector<128x1xi32> to vector<128x1024xi32>
    %lt3A_296 = vector.broadcast %iota3A : vector<1x1024xi32> to vector<128x1024xi32>
    %lt3A_297 = arith.cmpi slt, %lt3A_295, %lt3A_296 : vector<128x1024xi32>
    %and3A_298 = arith.andi %eq3A_294, %lt3A_297 : vector<128x1024xi1>
    %or3A_299 = arith.ori %gt3A_291, %and3A_298 : vector<128x1024xi1>
    %convert_element_type3A_300 = arith.extui %or3A_299 : vector<128x1024xi1> to vector<128x1024xi32>
    %reduce_sum3A_301 = arith.constant dense<0> : vector<1024xi32>
    %reduce_sum3A_302 = vector.multi_reduction <add>, %convert_element_type3A_300, %reduce_sum3A_301 [0] : vector<128x1024xi32> to vector<1024xi32>
    %broadcast_in_dim3A_303 = vector.shape_cast %reduce_sum3A_302 : vector<1024xi32> to vector<1x1024xi32>
    %add3A_304 = arith.addi %add3A_283, %broadcast_in_dim3A_303 : vector<1x1024xi32>
    %slice3A_305 = vector.extract_strided_slice %reshape3A {offsets = [256, 0], sizes = [128, 1], strides = [1, 1]} : vector<1024x1xf32> to vector<128x1xf32>
    %iota3A_306 = tpu.iota {dimensions = array<i32: 0>} : vector<128x1xi32>
    %add3A_307 = arith.constant 256 : i32
    %add3A_308 = vector.broadcast %add3A_307 : i32 to vector<128x1xi32>
    %add3A_309 = arith.addi %add3A_308, %iota3A_306 : vector<128x1xi32>
    %gt3A_310 = vector.broadcast %slice3A_305 : vector<128x1xf32> to vector<128x1024xf32>
    %gt3A_311 = vector.broadcast %neg3A_266 : vector<1x1024xf32> to vector<128x1024xf32>
    %gt3A_312 = arith.cmpf ogt, %gt3A_310, %gt3A_311 : vector<128x1024xf32>
    %eq3A_313 = vector.broadcast %slice3A_305 : vector<128x1xf32> to vector<128x1024xf32>
    %eq3A_314 = vector.broadcast %neg3A_266 : vector<1x1024xf32> to vector<128x1024xf32>
    %eq3A_315 = arith.cmpf oeq, %eq3A_313, %eq3A_314 : vector<128x1024xf32>
    %lt3A_316 = vector.broadcast %add3A_309 : vector<128x1xi32> to vector<128x1024xi32>
    %lt3A_317 = vector.broadcast %iota3A : vector<1x1024xi32> to vector<128x1024xi32>
    %lt3A_318 = arith.cmpi slt, %lt3A_316, %lt3A_317 : vector<128x1024xi32>
    %and3A_319 = arith.andi %eq3A_315, %lt3A_318 : vector<128x1024xi1>
    %or3A_320 = arith.ori %gt3A_312, %and3A_319 : vector<128x1024xi1>
    %convert_element_type3A_321 = arith.extui %or3A_320 : vector<128x1024xi1> to vector<128x1024xi32>
    %reduce_sum3A_322 = arith.constant dense<0> : vector<1024xi32>
    %reduce_sum3A_323 = vector.multi_reduction <add>, %convert_element_type3A_321, %reduce_sum3A_322 [0] : vector<128x1024xi32> to vector<1024xi32>
    %broadcast_in_dim3A_324 = vector.shape_cast %reduce_sum3A_323 : vector<1024xi32> to vector<1x1024xi32>
    %add3A_325 = arith.addi %add3A_304, %broadcast_in_dim3A_324 : vector<1x1024xi32>
    %slice3A_326 = vector.extract_strided_slice %reshape3A {offsets = [384, 0], sizes = [128, 1], strides = [1, 1]} : vector<1024x1xf32> to vector<128x1xf32>
    %iota3A_327 = tpu.iota {dimensions = array<i32: 0>} : vector<128x1xi32>
    %add3A_328 = arith.constant 384 : i32
    %add3A_329 = vector.broadcast %add3A_328 : i32 to vector<128x1xi32>
    %add3A_330 = arith.addi %add3A_329, %iota3A_327 : vector<128x1xi32>
    %gt3A_331 = vector.broadcast %slice3A_326 : vector<128x1xf32> to vector<128x1024xf32>
    %gt3A_332 = vector.broadcast %neg3A_266 : vector<1x1024xf32> to vector<128x1024xf32>
    %gt3A_333 = arith.cmpf ogt, %gt3A_331, %gt3A_332 : vector<128x1024xf32>
    %eq3A_334 = vector.broadcast %slice3A_326 : vector<128x1xf32> to vector<128x1024xf32>
    %eq3A_335 = vector.broadcast %neg3A_266 : vector<1x1024xf32> to vector<128x1024xf32>
    %eq3A_336 = arith.cmpf oeq, %eq3A_334, %eq3A_335 : vector<128x1024xf32>
    %lt3A_337 = vector.broadcast %add3A_330 : vector<128x1xi32> to vector<128x1024xi32>
    %lt3A_338 = vector.broadcast %iota3A : vector<1x1024xi32> to vector<128x1024xi32>
    %lt3A_339 = arith.cmpi slt, %lt3A_337, %lt3A_338 : vector<128x1024xi32>
    %and3A_340 = arith.andi %eq3A_336, %lt3A_339 : vector<128x1024xi1>
    %or3A_341 = arith.ori %gt3A_333, %and3A_340 : vector<128x1024xi1>
    %convert_element_type3A_342 = arith.extui %or3A_341 : vector<128x1024xi1> to vector<128x1024xi32>
    %reduce_sum3A_343 = arith.constant dense<0> : vector<1024xi32>
    %reduce_sum3A_344 = vector.multi_reduction <add>, %convert_element_type3A_342, %reduce_sum3A_343 [0] : vector<128x1024xi32> to vector<1024xi32>
    %broadcast_in_dim3A_345 = vector.shape_cast %reduce_sum3A_344 : vector<1024xi32> to vector<1x1024xi32>
    %add3A_346 = arith.addi %add3A_325, %broadcast_in_dim3A_345 : vector<1x1024xi32>
    %slice3A_347 = vector.extract_strided_slice %reshape3A {offsets = [512, 0], sizes = [128, 1], strides = [1, 1]} : vector<1024x1xf32> to vector<128x1xf32>
    %iota3A_348 = tpu.iota {dimensions = array<i32: 0>} : vector<128x1xi32>
    %add3A_349 = arith.constant 512 : i32
    %add3A_350 = vector.broadcast %add3A_349 : i32 to vector<128x1xi32>
    %add3A_351 = arith.addi %add3A_350, %iota3A_348 : vector<128x1xi32>
    %gt3A_352 = vector.broadcast %slice3A_347 : vector<128x1xf32> to vector<128x1024xf32>
    %gt3A_353 = vector.broadcast %neg3A_266 : vector<1x1024xf32> to vector<128x1024xf32>
    %gt3A_354 = arith.cmpf ogt, %gt3A_352, %gt3A_353 : vector<128x1024xf32>
    %eq3A_355 = vector.broadcast %slice3A_347 : vector<128x1xf32> to vector<128x1024xf32>
    %eq3A_356 = vector.broadcast %neg3A_266 : vector<1x1024xf32> to vector<128x1024xf32>
    %eq3A_357 = arith.cmpf oeq, %eq3A_355, %eq3A_356 : vector<128x1024xf32>
    %lt3A_358 = vector.broadcast %add3A_351 : vector<128x1xi32> to vector<128x1024xi32>
    %lt3A_359 = vector.broadcast %iota3A : vector<1x1024xi32> to vector<128x1024xi32>
    %lt3A_360 = arith.cmpi slt, %lt3A_358, %lt3A_359 : vector<128x1024xi32>
    %and3A_361 = arith.andi %eq3A_357, %lt3A_360 : vector<128x1024xi1>
    %or3A_362 = arith.ori %gt3A_354, %and3A_361 : vector<128x1024xi1>
    %convert_element_type3A_363 = arith.extui %or3A_362 : vector<128x1024xi1> to vector<128x1024xi32>
    %reduce_sum3A_364 = arith.constant dense<0> : vector<1024xi32>
    %reduce_sum3A_365 = vector.multi_reduction <add>, %convert_element_type3A_363, %reduce_sum3A_364 [0] : vector<128x1024xi32> to vector<1024xi32>
    %broadcast_in_dim3A_366 = vector.shape_cast %reduce_sum3A_365 : vector<1024xi32> to vector<1x1024xi32>
    %add3A_367 = arith.addi %add3A_346, %broadcast_in_dim3A_366 : vector<1x1024xi32>
    %slice3A_368 = vector.extract_strided_slice %reshape3A {offsets = [640, 0], sizes = [128, 1], strides = [1, 1]} : vector<1024x1xf32> to vector<128x1xf32>
    %iota3A_369 = tpu.iota {dimensions = array<i32: 0>} : vector<128x1xi32>
    %add3A_370 = arith.constant 640 : i32
    %add3A_371 = vector.broadcast %add3A_370 : i32 to vector<128x1xi32>
    %add3A_372 = arith.addi %add3A_371, %iota3A_369 : vector<128x1xi32>
    %gt3A_373 = vector.broadcast %slice3A_368 : vector<128x1xf32> to vector<128x1024xf32>
    %gt3A_374 = vector.broadcast %neg3A_266 : vector<1x1024xf32> to vector<128x1024xf32>
    %gt3A_375 = arith.cmpf ogt, %gt3A_373, %gt3A_374 : vector<128x1024xf32>
    %eq3A_376 = vector.broadcast %slice3A_368 : vector<128x1xf32> to vector<128x1024xf32>
    %eq3A_377 = vector.broadcast %neg3A_266 : vector<1x1024xf32> to vector<128x1024xf32>
    %eq3A_378 = arith.cmpf oeq, %eq3A_376, %eq3A_377 : vector<128x1024xf32>
    %lt3A_379 = vector.broadcast %add3A_372 : vector<128x1xi32> to vector<128x1024xi32>
    %lt3A_380 = vector.broadcast %iota3A : vector<1x1024xi32> to vector<128x1024xi32>
    %lt3A_381 = arith.cmpi slt, %lt3A_379, %lt3A_380 : vector<128x1024xi32>
    %and3A_382 = arith.andi %eq3A_378, %lt3A_381 : vector<128x1024xi1>
    %or3A_383 = arith.ori %gt3A_375, %and3A_382 : vector<128x1024xi1>
    %convert_element_type3A_384 = arith.extui %or3A_383 : vector<128x1024xi1> to vector<128x1024xi32>
    %reduce_sum3A_385 = arith.constant dense<0> : vector<1024xi32>
    %reduce_sum3A_386 = vector.multi_reduction <add>, %convert_element_type3A_384, %reduce_sum3A_385 [0] : vector<128x1024xi32> to vector<1024xi32>
    %broadcast_in_dim3A_387 = vector.shape_cast %reduce_sum3A_386 : vector<1024xi32> to vector<1x1024xi32>
    %add3A_388 = arith.addi %add3A_367, %broadcast_in_dim3A_387 : vector<1x1024xi32>
    %slice3A_389 = vector.extract_strided_slice %reshape3A {offsets = [768, 0], sizes = [128, 1], strides = [1, 1]} : vector<1024x1xf32> to vector<128x1xf32>
    %iota3A_390 = tpu.iota {dimensions = array<i32: 0>} : vector<128x1xi32>
    %add3A_391 = arith.constant 768 : i32
    %add3A_392 = vector.broadcast %add3A_391 : i32 to vector<128x1xi32>
    %add3A_393 = arith.addi %add3A_392, %iota3A_390 : vector<128x1xi32>
    %gt3A_394 = vector.broadcast %slice3A_389 : vector<128x1xf32> to vector<128x1024xf32>
    %gt3A_395 = vector.broadcast %neg3A_266 : vector<1x1024xf32> to vector<128x1024xf32>
    %gt3A_396 = arith.cmpf ogt, %gt3A_394, %gt3A_395 : vector<128x1024xf32>
    %eq3A_397 = vector.broadcast %slice3A_389 : vector<128x1xf32> to vector<128x1024xf32>
    %eq3A_398 = vector.broadcast %neg3A_266 : vector<1x1024xf32> to vector<128x1024xf32>
    %eq3A_399 = arith.cmpf oeq, %eq3A_397, %eq3A_398 : vector<128x1024xf32>
    %lt3A_400 = vector.broadcast %add3A_393 : vector<128x1xi32> to vector<128x1024xi32>
    %lt3A_401 = vector.broadcast %iota3A : vector<1x1024xi32> to vector<128x1024xi32>
    %lt3A_402 = arith.cmpi slt, %lt3A_400, %lt3A_401 : vector<128x1024xi32>
    %and3A_403 = arith.andi %eq3A_399, %lt3A_402 : vector<128x1024xi1>
    %or3A_404 = arith.ori %gt3A_396, %and3A_403 : vector<128x1024xi1>
    %convert_element_type3A_405 = arith.extui %or3A_404 : vector<128x1024xi1> to vector<128x1024xi32>
    %reduce_sum3A_406 = arith.constant dense<0> : vector<1024xi32>
    %reduce_sum3A_407 = vector.multi_reduction <add>, %convert_element_type3A_405, %reduce_sum3A_406 [0] : vector<128x1024xi32> to vector<1024xi32>
    %broadcast_in_dim3A_408 = vector.shape_cast %reduce_sum3A_407 : vector<1024xi32> to vector<1x1024xi32>
    %add3A_409 = arith.addi %add3A_388, %broadcast_in_dim3A_408 : vector<1x1024xi32>
    %slice3A_410 = vector.extract_strided_slice %reshape3A {offsets = [896, 0], sizes = [128, 1], strides = [1, 1]} : vector<1024x1xf32> to vector<128x1xf32>
    %iota3A_411 = tpu.iota {dimensions = array<i32: 0>} : vector<128x1xi32>
    %add3A_412 = arith.constant 896 : i32
    %add3A_413 = vector.broadcast %add3A_412 : i32 to vector<128x1xi32>
    %add3A_414 = arith.addi %add3A_413, %iota3A_411 : vector<128x1xi32>
    %gt3A_415 = vector.broadcast %slice3A_410 : vector<128x1xf32> to vector<128x1024xf32>
    %gt3A_416 = vector.broadcast %neg3A_266 : vector<1x1024xf32> to vector<128x1024xf32>
    %gt3A_417 = arith.cmpf ogt, %gt3A_415, %gt3A_416 : vector<128x1024xf32>
    %eq3A_418 = vector.broadcast %slice3A_410 : vector<128x1xf32> to vector<128x1024xf32>
    %eq3A_419 = vector.broadcast %neg3A_266 : vector<1x1024xf32> to vector<128x1024xf32>
    %eq3A_420 = arith.cmpf oeq, %eq3A_418, %eq3A_419 : vector<128x1024xf32>
    %lt3A_421 = vector.broadcast %add3A_414 : vector<128x1xi32> to vector<128x1024xi32>
    %lt3A_422 = vector.broadcast %iota3A : vector<1x1024xi32> to vector<128x1024xi32>
    %lt3A_423 = arith.cmpi slt, %lt3A_421, %lt3A_422 : vector<128x1024xi32>
    %and3A_424 = arith.andi %eq3A_420, %lt3A_423 : vector<128x1024xi1>
    %or3A_425 = arith.ori %gt3A_417, %and3A_424 : vector<128x1024xi1>
    %convert_element_type3A_426 = arith.extui %or3A_425 : vector<128x1024xi1> to vector<128x1024xi32>
    %reduce_sum3A_427 = arith.constant dense<0> : vector<1024xi32>
    %reduce_sum3A_428 = vector.multi_reduction <add>, %convert_element_type3A_426, %reduce_sum3A_427 [0] : vector<128x1024xi32> to vector<1024xi32>
    %broadcast_in_dim3A_429 = vector.shape_cast %reduce_sum3A_428 : vector<1024xi32> to vector<1x1024xi32>
    %add3A_430 = arith.addi %add3A_409, %broadcast_in_dim3A_429 : vector<1x1024xi32>
    %swap3A = arith.constant 0 : index
    %swap3A_431 = arith.constant 0 : index
    %swap3A_432 = arith.constant 0 : index
    %swap3A_433 = vector.load %arg3[%swap3A, %swap3A_431, %swap3A_432] : memref<1x1x1024xi32, #tpu.memory_space<vmem>>, vector<1x1x1024xi32>
    %swap3A_434 = vector.shape_cast %swap3A_433 : vector<1x1x1024xi32> to vector<1x1024xi32>
    %swap3A_435 = vector.shape_cast %add3A_430 : vector<1x1024xi32> to vector<1x1x1024xi32>
    tpu.vector_store %arg3[%swap3A, %swap3A_431, %swap3A_432], %swap3A_435 {strides = array<i32>} : memref<1x1x1024xi32, #tpu.memory_space<vmem>>, vector<1x1x1024xi32>,
    %ge3A_436 = arith.constant 256 : i32
    %ge3A_437 = vector.broadcast %ge3A_436 : i32 to vector<1x1024xi32>
    %ge3A_438 = arith.cmpi sge, %add3A_430, %ge3A_437 : vector<1x1024xi32>
    %convert_element_type3A_439 = arith.extui %ge3A_438 : vector<1x1024xi1> to vector<1x1024xi32>
    %convert_element_type3A_440 = arith.sitofp %convert_element_type3A_439 : vector<1x1024xi32> to vector<1x1024xf32>
    %swap3A_441 = arith.constant 0 : index
    %swap3A_442 = arith.constant 0 : index
    %swap3A_443 = arith.constant 0 : index
    %swap3A_444 = vector.load %arg4[%swap3A_441, %swap3A_442, %swap3A_443] : memref<1x1x1024xf32, #tpu.memory_space<vmem>>, vector<1x1x1024xf32>
    %swap3A_445 = vector.shape_cast %swap3A_444 : vector<1x1x1024xf32> to vector<1x1024xf32>
    %swap3A_446 = vector.shape_cast %convert_element_type3A_440 : vector<1x1024xf32> to vector<1x1x1024xf32>
    tpu.vector_store %arg4[%swap3A_441, %swap3A_442, %swap3A_443], %swap3A_446 {strides = array<i32>} : memref<1x1x1024xf32, #tpu.memory_space<vmem>>, vector<1x1x1024xf32>,
    %iota3A_447 = tpu.iota {dimensions = array<i32: 0>} : vector<256x1xi32>
    %eq3A_448 = vector.broadcast %add3A_430 : vector<1x1024xi32> to vector<256x1024xi32>
    %eq3A_449 = vector.broadcast %iota3A_447 : vector<256x1xi32> to vector<256x1024xi32>
    %eq3A_450 = arith.cmpi eq, %eq3A_448, %eq3A_449 : vector<256x1024xi32>
    %broadcast_in_dim3A_451 = vector.shape_cast %iota3A : vector<1x1024xi32> to vector<1x1024xi32>
    %broadcast_in_dim3A_452 = vector.broadcast %broadcast_in_dim3A_451 : vector<1x1024xi32> to vector<256x1024xi32>
    %jit3A = arith.constant 0 : i32
    %broadcast_in_dim3A_453 = vector.broadcast %jit3A : i32 to vector<256x1024xi32>
    %select_n3A = arith.select %eq3A_450, %broadcast_in_dim3A_452, %broadcast_in_dim3A_453 : vector<256x1024xi1>, vector<256x1024xi32>
    %reduce_sum3A_454 = arith.constant dense<0> : vector<256xi32>
    %reduce_sum3A_455 = vector.multi_reduction <add>, %select_n3A, %reduce_sum3A_454 [1] : vector<256x1024xi32> to vector<256xi32>
    %reshape3A_456 = vector.shape_cast %reduce_sum3A_455 : vector<256xi32> to vector<1x256xi32>
    %mul3A_457 = arith.constant 1024 : i32
    %mul3A_458 = arith.muli %arg0, %mul3A_457 : i32
    %add3A_459 = vector.broadcast %mul3A_458 : i32 to vector<1x256xi32>
    %add3A_460 = arith.addi %reshape3A_456, %add3A_459 : vector<1x256xi32>
    %swap3A_461 = arith.constant 0 : index
    %swap3A_462 = arith.constant 0 : index
    %swap3A_463 = arith.constant 0 : index
    %swap3A_464 = vector.load %arg5[%swap3A_461, %swap3A_462, %swap3A_463] : memref<1x1x256xi32, #tpu.memory_space<vmem>>, vector<1x1x256xi32>
    %swap3A_465 = vector.shape_cast %swap3A_464 : vector<1x1x256xi32> to vector<1x256xi32>
    %swap3A_466 = vector.shape_cast %add3A_460 : vector<1x256xi32> to vector<1x1x256xi32>
    tpu.vector_store %arg5[%swap3A_461, %swap3A_462, %swap3A_463], %swap3A_466 {strides = array<i32>} : memref<1x1x256xi32, #tpu.memory_space<vmem>>, vector<1x1x256xi32>,
    return
  }
  func.func @transform_0(%arg0: i32) -> (i32, i32, i32) {
    %c0_i32 = arith.constant 0 : i32
    %c0_i32_0 = arith.constant 0 : i32
    %c0_i32_1 = arith.constant 0 : i32
    return %arg0, %c0_i32, %c0_i32_0 : i32, i32, i32
  }
  func.func @transform_1(%arg0: i32) -> (i32, i32) {
    %c0_i32 = arith.constant 0 : i32
    %c0_i32_0 = arith.constant 0 : i32
    %c0_i32_1 = arith.constant 0 : i32
    return %c0_i32, %c0_i32_0 : i32, i32
  }
  func.func @transform_2(%arg0: i32) -> (i32, i32, i32) {
    %c0_i32 = arith.constant 0 : i32
    %c0_i32_0 = arith.constant 0 : i32
    %c0_i32_1 = arith.constant 0 : i32
    return %arg0, %c0_i32, %c0_i32_0 : i32, i32, i32
  }
  func.func @transform_3(%arg0: i32) -> (i32, i32, i32) {
    %c0_i32 = arith.constant 0 : i32
    %c0_i32_0 = arith.constant 0 : i32
    %c0_i32_1 = arith.constant 0 : i32
    return %arg0, %c0_i32, %c0_i32_0 : i32, i32, i32
  }
  func.func @transform_4(%arg0: i32) -> (i32, i32, i32) {
    %c0_i32 = arith.constant 0 : i32
    %c0_i32_0 = arith.constant 0 : i32
    %c0_i32_1 = arith.constant 0 : i32
    return %arg0, %c0_i32, %c0_i32_0 : i32, i32, i32
  }
}

</mosaic_0001>

<sc_bundles>
// kernel: kernel.4.cloned.1.call-start
scs
__scs_entry_jumppad:
0x0: {  	(pc) =	sbr.rel $0x88, $3  }
0x1: {  	(tag) =	ssettag $0x0;
	lr =	simm.s32 $0x1  }
0x2: {  	[smem:$0x3F9F] =	sst lr;
	_ =	strace $0xD0000000  }
0x3: {  	_ = 	snop  }
0x4: {  	_ = 	snop  }
0x5: {  	_ = 	snop  }
0x6: {  	_ = 	snop  }
0x7: {  	_ = 	snop  }
__scs_overlays_trampoline_lowered:
0x8: {  	[smem:$0x3FAE] =	sst s0  }
0x9: {  	[smem:$0x3FAF] =	sst s1  }
0xa: {  	[smem:$0x3FB0] =	sst s2  }
0xb: {  	[smem:$0x3FB1] =	sst s3  }
0xc: {  	[smem:$0x3FB2] =	sst s4  }
0xd: {  	[smem:$0x3FB3] =	sst s5  }
0xe: {  	[smem:$0x3FB4] =	sst s6  }
0xf: {  	[smem:$0x3FB5] =	sst s7  }
0x10: {  	[smem:$0x3FB6] =	sst s8  }
0x11: {  	[smem:$0x3FB7] =	sst s9;
	s0 =	simm.s32 @!p0 $0x0  }
0x12: {  	s1 =	sld [smem:$0x3F9D];
	s0 =	simm.s32 @p0 $0x1  }
0x13: {  	[smem:$0x3FB8] =	sst s0;
	s0 =	simm.s32 @!p1 $0x0  }
0x14: {  	s2 =	sld [smem:$0x3F9C];
	s0 =	simm.s32 @p1 $0x1  }
0x15: {  	[smem:$0x3FB9] =	sst s0;
	s0 =	simm.s32 @!p2 $0x0  }
0x16: {  	s3 =	sld [smem:$0x3FDB];
	s0 =	simm.s32 @p2 $0x1  }
0x17: {  	s4 =	simm.s32 $0x1BF5;
	[smem:$0x3FBB] =	sst s0  }
0x18: {  	s0 =	sld [smem:$0x3F9E];
	_ =	swait.ge [sflag:s4], $0x0  }
0x19: {  	s7 =	sld [smem:$0x3F9F]  }
0x1a: {  	s8 =	sadd.s32 $0xFFFFE003, lr  }
0x1b: {  	s9 =	sadd.s32 $0xFFFFFEF7, lr;
	s5 =	simm.s32 $0xFFFFFFFF;
	p2 =	slt.u32 s8, $0xFFFFF086  }
0x1c: {  	p1 =	slt.u32 s9, $0xF7A;
	s5 =	simm.s32 @!p2 $0x0  }
0x1d: {  	s5 =	simm.s32 @p1 $0x1;
	p0 =	seq.s32 s7, s2  }
0x1e: {  	s7 =	smul.u32 @!p0 $0xF7A, s2;
	p2 =	seq.s32 @!p0 s5, $0x0  }
0x1f: {  	s9 =	smul.u32 $0xF7A, s1;
	s8 =	simm.s32 @!p0 $0x1BF5;
	p2 =	por !p2, p0  }
0x20: {  	[sflag:s8] =	ssyncset.s32 @!p0 $0xFFFFF086;
	s6 =	sadd.s32 @!p0 s3, s7;
	s7 =	simm.s32 @!p0 $0x108  }
0x21: {  	s3 =	sadd.s32 s3, s9;
	s6 =	sadd.s32 @!p0 $0x88, s6;
	s7 =	simm.s32 @p2 $0x1082  }
0x22: {  	[simem:s7], [sflag:s8] =	dma.local @!p0 [hbm:s6], $0xF7A  }
0x23: {  	s9 =	sor.u32 $0xD0000000, s2;
	s6 =	simm.s32 $0x108;
	_ =	swait.ge @!p0 [sflag:s8], $0x0  }
0x24: {  	s3 =	sadd.s32 $0x88, s3;
	s6 =	simm.s32 @!p1 $0x1082;
	[sflag:s4] =	ssyncset.s32 $0xFFFFF086  }
0x25: {  	[simem:s6], [sflag:s4] =	dma.local [hbm:s3], $0xF7A  }
0x26: {  	[smem:$0x3F9F] =	sst s1;
	(tag) =	ssettag s2;
	_ =	strace s9  }
0x27: {  	s1 =	sld [smem:$0x3FAF]  }
0x28: {  	s2 =	sld [smem:$0x3FB0]  }
0x29: {  	s4 =	sld [smem:$0x3FB2]  }
0x2a: {  	p0 =	seq.s32 s5, $0x0;
	s5 =	sld [smem:$0x3FB3]  }
0x2b: {  	s6 =	sld [smem:$0x3FB4]  }
0x2c: {  	s7 =	sld [smem:$0x3FB5]  }
0x2d: {  	s3 =	simm.s32 $0x108;
	s8 =	sld [smem:$0x3FB6]  }
0x2e: {  	s3 =	simm.s32 @!p0 $0x1082;
	s9 =	sld [smem:$0x3FB7]  }
0x2f: {  	lr =	sadd.s32 s0, s3;
	s0 =	sld [smem:$0x3FAE]  }
0x30: {  	s3 =	sld [smem:$0x3FB1]  }
0x31: {  	[smem:$0x3FBA] =	sst s10  }
0x32: {  	s10 =	sld [smem:$0x3FB8];
	_ =	sdelay $0x3  }
0x33: {  	p0 =	seq.s32 s10, $0x1;
	s10 =	sld [smem:$0x3FBA];
	_ =	sdelay $0x3  }
0x34: {  	[smem:$0x3FBA] =	sst s10  }
0x35: {  	s10 =	sld [smem:$0x3FB9];
	_ =	sdelay $0x3  }
0x36: {  	p1 =	seq.s32 s10, $0x1;
	s10 =	sld [smem:$0x3FBA];
	_ =	sdelay $0x3  }
0x37: {  	[smem:$0x3FBA] =	sst s10  }
0x38: {  	s10 =	sld [smem:$0x3FBB]  }
0x39: {  	_ = 	snop;
	(pc) =	sbr.ind lr, $3  }
0x3a: {  	_ = 	snop  }
0x3b: {  	_ = 	snop  }
0x3c: {  	p2 =	seq.s32 s10, $0x1;
	s10 =	sld [smem:$0x3FBA]  }
0x3d: {  	_ =	shalt  }
0x3e: {  	_ =	shalt  }
0x3f: {  	_ =	shalt  }
0x40: {  	_ =	shalt  }
0x41: {  	_ =	shalt  }
0x42: {  	_ =	shalt  }
0x43: {  	_ =	shalt  }
0x44: {  	_ =	shalt  }
0x45: {  	_ =	shalt  }
0x46: {  	_ =	shalt  }
0x47: {  	_ =	shalt  }
0x48: {  	_ =	shalt  }
0x49: {  	_ =	shalt  }
0x4a: {  	_ =	shalt  }
0x4b: {  	_ =	shalt  }
0x4c: {  	_ =	shalt  }
0x4d: {  	_ =	shalt  }
0x4e: {  	_ =	shalt  }
0x4f: {  	_ =	shalt  }
0x50: {  	_ =	shalt  }
0x51: {  	_ =	shalt  }
0x52: {  	_ =	shalt  }
0x53: {  	_ =	shalt  }
0x54: {  	_ =	shalt  }
0x55: {  	_ =	shalt  }
0x56: {  	_ =	shalt  }
0x57: {  	_ =	shalt  }
0x58: {  	_ =	shalt  }
0x59: {  	_ =	shalt  }
0x5a: {  	_ =	shalt  }
0x5b: {  	_ =	shalt  }
0x5c: {  	_ =	shalt  }
0x5d: {  	_ =	shalt  }
0x5e: {  	_ =	shalt  }
0x5f: {  	_ =	shalt  }
0x60: {  	_ =	shalt  }
0x61: {  	_ =	shalt  }
0x62: {  	_ =	shalt  }
0x63: {  	_ =	shalt  }
0x64: {  	_ =	shalt  }
0x65: {  	_ =	shalt  }
0x66: {  	_ =	shalt  }
0x67: {  	_ =	shalt  }
0x68: {  	_ =	shalt  }
0x69: {  	_ =	shalt  }
0x6a: {  	_ =	shalt  }
0x6b: {  	_ =	shalt  }
0x6c: {  	_ =	shalt  }
0x6d: {  	_ =	shalt  }
0x6e: {  	_ =	shalt  }
0x6f: {  	_ =	shalt  }
0x70: {  	_ =	shalt  }
0x71: {  	_ =	shalt  }
0x72: {  	_ =	shalt  }
0x73: {  	_ =	shalt  }
0x74: {  	_ =	shalt  }
0x75: {  	_ =	shalt  }
0x76: {  	_ =	shalt  }
0x77: {  	_ =	shalt  }
0x78: {  	_ =	shalt  }
0x79: {  	_ =	shalt  }
0x7a: {  	_ =	shalt  }
0x7b: {  	_ =	shalt  }
0x7c: {  	_ =	shalt  }
0x7d: {  	_ =	shalt  }
0x7e: {  	_ =	shalt  }
0x7f: {  	_ =	shalt  }
0x80: {  	_ =	shalt  }
0x81: {  	_ =	shalt  }
0x82: {  	_ =	shalt  }
0x83: {  	_ =	shalt  }
0x84: {  	_ =	shalt  }
0x85: {  	_ =	shalt  }
0x86: {  	_ =	shalt  }
0x87: {  	_ =	shalt  }
.Lfunc_end0:
.L_simem_size_0:
called_computation_lowered:
.L_overlay_start_0:
0x88: {  	s2 =	sld [smem:$0x3FD9]  }
0x89: {  	s3 =	sld [smem:$0x3FFE];
	_ =	sdelay $0x1  }
0x8a: {  	s1 =	srdreg.scid  }
0x8b: {  	s0 =	sand.u32 $0x1, s1  }
0x8c: {  	s14 =	sshll.u32 s0, $0xA;
	s2 =	sadd.s32 s3, s2  }
0x8d: {  	s2 =	sadd.s32 s2, s14  }
0x8e: {  	[smem:$0x3FC6] =	sst s2  }
0x8f: {  	_ = 	snop  }
0x90: {  	s2 =	sld [smem:$0x3FD0];
	_ =	sdelay $0x2  }
0x91: {  	s4 =	simm.s32 $0xA;
	s5 =	simm.s32 $0x10;
	s15 =	sld [smem:$0x3FC9]  }
0x92: {  	[smem:s5], [sflag:s4] =	dma.local [hbm:s2], $0x1  }
0x93: {  	_ =	swait.eq [sflag:s4], $0x1  }
0x94: {  	[sflag:s4] =	ssyncset.done $0x0  }
0x95: {  	[sflag:s4] =	ssyncadd.s32 $0xFFFFFFFF  }
0x96: {  	s16 =	sld [smem:$0x10];
	(tm) =	ssettm $0x1  }
0x97: {  	s17 =	sld [smem:$0x3FFB];
	_ =	sdelay $0x3  }
0x98: {  	_ =	strace s17  }
0x99: {  	s4 =	sld [smem:$0x3FFC];
	_ =	sdelay $0x3  }
0x9a: {  	_ =	strace s4  }
0x9b: {  	s4 =	sld [smem:$0x3FFD];
	_ =	sdelay $0x3  }
0x9c: {  	_ =	strace s4  }
0x9d: {  	_ =	strace $0x8FFFFFFF  }
0x9e: {  	s18 =	sld [smem:$0x3FDB];
	_ =	sdelay $0x1  }
0x9f: {  	s19 =	simm.s32 $_scs_section_size  }
0xa0: {  	s6 =	simm.s32 $_size__tile_overlayer_lowered;
	s7 =	simm.s32 $_tile_overlayer_lowered  }
0xa1: {  	s22 =	simm.s32 $0x1BFF;
	s21 =	sshll.u32 s7, $0x1;
	s4 =	sadd.s32 s19, s18  }
0xa2: {  	s8 =	simm.s32 $0x0;
	s20 =	sshll.u32 s6, $0x1;
	s6 =	sadd.s32 s21, s4  }
0xa3: {  	[timem:s8], [sflag:s22] =	dma.local [hbm:s6], s20  }
0xa4: {  	_ =	swait.ge [sflag:s22], s20  }
0xa5: {  	s5 =	ssub.s32 $0x0, s20;
	[sflag:s22] =	ssyncset.done $0x0  }
0xa6: {  	[sflag:s22] =	ssyncadd.s32 s5;
	_ =	sdelay $0x1  }
0xa7: {  	s23 =	simm.s32 $0x1B8B  }
0xa8: {  	_ =	swait.ge [sflag:s23], $0x1  }
0xa9: {  	[sflag:s23] =	ssyncset.done $0x0  }
0xaa: {  	s25 =	simm.s32 $0x1B8E;
	s24 =	sld [smem:$0x3FFE];
	[sflag:s23] =	ssyncadd.s32 $0xFFFFFFFF  }
0xab: {  	s26 =	simm.s32 $execute0_lowered;
	[smem:$0x3FD2] =	sst s25  }
0xac: {  	s6 =	sshll.u32 s26, $0x1;
	_ =	strace $0x80000046;
	[dreg:$0x1] =	wrdreg $0xFFFFFFFF  }
0xad: {  	s28 =	simm.s32 $_size_execute0_lowered;
	s4 =	sadd.s32 s4, s6;
	[dreg:$0x0] =	wrdreg $0x0  }
0xae: {  	s6 =	sshll.u32 s28, $0x1;
	[dreg:$0x2] =	wrdreg s4  }
0xaf: {  	[dreg:$0x3] =	wrdreg s6  }
0xb0: {  	[dreg:$0x4] =	wrdreg $0xC0  }
0xb1: {  	_ =	task [dreg:s8], $0x5FFFF  }
0xb2: {  	[dreg:$0x1] =	wrdreg $0xFFFFFFFF  }
0xb3: {  	[dreg:$0x0] =	wrdreg $0x60  }
0xb4: {  	[dreg:$0x2] =	wrdreg s15  }
0xb5: {  	[dreg:$0x3] =	wrdreg s24  }
0xb6: {  	[dreg:$0x4] =	wrdreg s16  }
0xb7: {  	[dreg:$0x5] =	wrdreg $0x9  }
0xb8: {  	_ =	task.clear_ibuf [dreg:s8], $0x6FFFF;
	_ =	strace $0x90000046  }
0xb9: {  	s29 =	simm.s32 $0x9;
	_ =	strace $0x80000048  }
0xba: {  	_ =	swait.ge [sflag:s29], $0x1  }
0xbb: {  	[sflag:s29] =	ssyncadd.s32 $0xFFFFFFFF  }
0xbc: {  	_ =	strace $0x90000048  }
0xbd: {  	_ =	sfence  }
0xbe: {  	s30 =	sld [smem:$0x0];
	_ =	sdelay $0x2  }
0xbf: {  	s31 =	sshll.u32 s1, $0xD;
	s1 =	sshrl.u32 s1, $0x2  }
0xc0: {  	s3 =	sand.u32 $0x4000, s31;
	s1 =	sadd.s32 s1, s30  }
0xc1: {  	s0 =	sor.u32 s3, s0;
	s1 =	sshll.u32 s1, $0x11  }
0xc2: {  	s0 =	sor.u32 s1, s0  }
0xc3: {  	s0 =	sadd.s32 $0x8F2B, s0  }
0xc4: {  	[sflag:s0] =	ssyncadd.remote.s32 $0x1  }
0xc5: {  	_ =	sfence.sel $0xFFFF  }
0xc6: {  	[dreg:$0x0] =	wrdreg $0xFFFFFFFF;
	(pc) =	sbr.abs _section_cstart, $3  }
0xc7: {  	[dreg:$0x1] =	wrdreg $0xFFFFFFFF  }
0xc8: {  	_ =	task.clear_ibuf [dreg:s8], $0x2FFFF;
	_ =	strace $0x9FFFFFFF  }
0xc9: {  	(tm) =	ssettm $0x7FFFFFFF  }
tec
execute0_lowered:
.L_overlay_start_1:
0x0: {  	(tag) =	ssettag $0x1  }
0x1: {  	s0 =	srdreg.scid;
	s1 =	rddreg [dreg:$0x0]  }
0x2: {  	s3 =	stileid.u32;
	s2 =	rddreg [dreg:$0x1]  }
0x3: {  	s5 =	rddreg [dreg:$0x2];
	s8 =	simm.s32 $0x3;
	s0 =	sand.u32 $0x1, s0  }
0x4: {  	s16 =	simm.s32 $0x200;
	s3 =	sshll.u32 s3, $0x7;
	s4 =	sshll.u32 s0, $0x6  }
0x5: {  	s10 =	simm.s32 $0x1;
	s11 =	simm.s32 $0x2;
	s4 =	sor.u32 s4, s3  }
0x6: {  	s3 =	simm.s32 $0x0;
	s6 =	smul.u32 $0x300, s4;
	s2 =	sadd.s32 s4, s2  }
0x7: {  	[smem:$0x7FF] =	sst s3;
	s4 =	smul.u32 $0x1800, s4;
	s2 =	sadd.s32 $0xE00, s2  }
0x8: {  	_ =	strace $0x80000047;
	s6 =	sadd.s32 s5, s6;
	[dreg:$0x4] =	wrdreg s2  }
0x9: {  	s4 =	sshrl.u32 s4, $0x3;
	s23 =	sadd.s32 $0x1800, s6;
	[dreg:$0xc] =	wrdreg s6  }
0xa: {  	s24 =	sadd.s32 $0x3000, s6;
	s4 =	sadd.s32 s5, s4;
	[dreg:$0x5] =	wrdreg s23  }
0xb: {  	s0 =	ssub.s32 $0x2, s0;
	[dreg:$0x6] =	wrdreg s24;
	s25 =	sadd.s32 $0x4800, s4  }
0xc: {  	s28 =	sshrl.u32 s0, $0x1;
	s26 =	sadd.s32 $0x6000, s4;
	[dreg:$0x7] =	wrdreg s25  }
0xd: {  	s0 =	ssub.s32 s0, s28;
	s29 =	sadd.s32 $0x7800, s4;
	[dreg:$0x8] =	wrdreg s26  }
0xe: {  	v2 =	vlaneseq.u32;
	s7 =	smax.u32 s0, $0x1;
	s30 =	sadd.s32 $0x9000, s4;
	[dreg:$0x9] =	wrdreg s29  }
0xf: {  	vm0 =	vmmov $0xffff;
	v1 =	vshrl.u32 v2, $0x3;
	s5 =	sadd.s32 $0x100, s1;
	s31 =	sadd.s32 $0xA800, s4;
	[dreg:$0xa] =	wrdreg s30  }
0x10: {  	v0 =	vand.u32 $0x7, v2;
	v2 =	vor.u32 $0x8, v2;
	v1 =	vmul.u32 $0x8, v1;
	s6 =	sadd.s32 $0x200, s1;
	s4 =	simm.s32 $0xC200;
	[dreg:$0xb] =	wrdreg s31  }
.LBB2_1:
0x11: {  	s12 =	rddreg [dreg:$0x4]  }
0x12: {  	[tilespmem:s3], [sflag:$0x3] =	stream.linear.gather [hbm4b:s12+s3], $0x200, $0x38;
	[tilespmem:$0x18200] =	vst v63  }
0x13: {  	_ =	swait.ge [sflag:s8], $0x200  }
0x14: {  	[sflag:s8] =	ssyncset.done $0x0  }
0x15: {  	[sflag:s8] =	ssyncadd.s32 $0xFFFFFE00  }
0x16: {  	v3 =	vld [tilespmem:$0x0];
	_ =	sdelay $0x4  }
0x17: {  	v4 =	vshrl.u32 v3, $0x3  }
0x18: {  	v4 =	vmul.u32 $0x30, v4  }
0x19: {  	v3 =	vand.u32 $0x7, v3  }
0x1a: {  	v3 =	vor.u32 v3, v4  }
0x1b: {  	v4 =	vperm.xlane v3, v0;
	_ =	sdelay $0x1  }
0x1c: {  	v4 =	vadd.s32 v1, v4;
	_ =	sdelay $0x3  }
0x1d: {  	v3 =	vperm.xlane v3, v2  }
0x1e: {  	[tilespmem:s16], [sflag:$0x1] =	stream.indirect_vreg.gather [hbm4b:s1+s3], $0x80, v4, vm0, $0xb8;
	[tilespmem:$0x18200] =	vst v63  }
0x1f: {  	s0 =	simm.s32 $0xA00;
	v3 =	vadd.s32 v1, v3  }
0x20: {  	[tilespmem:s0], [sflag:$0x1] =	stream.indirect_vreg.gather [hbm4b:s5+s3], $0x80, v4, vm0, $0xb8;
	[tilespmem:$0x18200] =	vst v63  }
0x21: {  	s28 =	simm.s32 $0x1200  }
0x22: {  	[tilespmem:s28], [sflag:$0x1] =	stream.indirect_vreg.gather [hbm4b:s6+s3], $0x80, v4, vm0, $0xb8;
	[tilespmem:$0x18200] =	vst v63  }
0x23: {  	s29 =	simm.s32 $0x1A00  }
0x24: {  	[tilespmem:s29], [sflag:$0x1] =	stream.indirect_vreg.gather [hbm4b:s1+s3], $0x80, v3, vm0, $0xb8;
	[tilespmem:$0x18200] =	vst v63  }
0x25: {  	s30 =	simm.s32 $0x2200  }
0x26: {  	[tilespmem:s30], [sflag:$0x1] =	stream.indirect_vreg.gather [hbm4b:s5+s3], $0x80, v3, vm0, $0xb8;
	[tilespmem:$0x18200] =	vst v63  }
0x27: {  	s31 =	simm.s32 $0x2A00  }
0x28: {  	[tilespmem:s31], [sflag:$0x1] =	stream.indirect_vreg.gather [hbm4b:s6+s3], $0x80, v3, vm0, $0xb8;
	[tilespmem:$0x18200] =	vst v63  }
0x29: {  	v3 =	vld [tilespmem:$0x10];
	_ =	sdelay $0x4  }
0x2a: {  	v33 =	vshrl.u32 v3, $0x3  }
0x2b: {  	v4 =	vmul.u32 $0x30, v33  }
0x2c: {  	v3 =	vand.u32 $0x7, v3  }
0x2d: {  	v3 =	vor.u32 v3, v4  }
0x2e: {  	v4 =	vperm.xlane v3, v0;
	_ =	sdelay $0x1  }
0x2f: {  	v4 =	vadd.s32 v1, v4;
	_ =	sdelay $0x3  }
0x30: {  	s2 =	simm.s32 $0x3200;
	v3 =	vperm.xlane v3, v2  }
0x31: {  	[tilespmem:s2], [sflag:$0x1] =	stream.indirect_vreg.gather [hbm4b:s1+s3], $0x80, v4, vm0, $0xb8;
	[tilespmem:$0x18200] =	vst v63  }
0x32: {  	s9 =	simm.s32 $0x3A00;
	v3 =	vadd.s32 v1, v3  }
0x33: {  	[tilespmem:s9], [sflag:$0x1] =	stream.indirect_vreg.gather [hbm4b:s5+s3], $0x80, v4, vm0, $0xb8;
	[tilespmem:$0x18200] =	vst v63  }
0x34: {  	s12 =	simm.s32 $0x4200  }
0x35: {  	[tilespmem:s12], [sflag:$0x1] =	stream.indirect_vreg.gather [hbm4b:s6+s3], $0x80, v4, vm0, $0xb8;
	[tilespmem:$0x18200] =	vst v63  }
0x36: {  	s15 =	simm.s32 $0x4A00  }
0x37: {  	[tilespmem:s15], [sflag:$0x1] =	stream.indirect_vreg.gather [hbm4b:s1+s3], $0x80, v3, vm0, $0xb8;
	[tilespmem:$0x18200] =	vst v63  }
0x38: {  	s17 =	simm.s32 $0x5200  }
0x39: {  	[tilespmem:s17], [sflag:$0x1] =	stream.indirect_vreg.gather [hbm4b:s5+s3], $0x80, v3, vm0, $0xb8;
	[tilespmem:$0x18200] =	vst v63  }
0x3a: {  	s18 =	simm.s32 $0x5A00  }
0x3b: {  	[tilespmem:s18], [sflag:$0x1] =	stream.indirect_vreg.gather [hbm4b:s6+s3], $0x80, v3, vm0, $0xb8;
	[tilespmem:$0x18200] =	vst v63  }
0x3c: {  	v3 =	vld [tilespmem:$0x20];
	_ =	sdelay $0x4  }
0x3d: {  	v34 =	vshrl.u32 v3, $0x3  }
0x3e: {  	v4 =	vmul.u32 $0x30, v34  }
0x3f: {  	v3 =	vand.u32 $0x7, v3  }
0x40: {  	v3 =	vor.u32 v3, v4  }
0x41: {  	v4 =	vperm.xlane v3, v0;
	_ =	sdelay $0x1  }
0x42: {  	v4 =	vadd.s32 v1, v4;
	_ =	sdelay $0x3  }
0x43: {  	s19 =	simm.s32 $0x6200;
	v3 =	vperm.xlane v3, v2  }
0x44: {  	[tilespmem:s19], [sflag:$0x1] =	stream.indirect_vreg.gather [hbm4b:s1+s3], $0x80, v4, vm0, $0xb8;
	[tilespmem:$0x18200] =	vst v63  }
0x45: {  	s20 =	simm.s32 $0x6A00;
	v3 =	vadd.s32 v1, v3  }
0x46: {  	[tilespmem:s20], [sflag:$0x1] =	stream.indirect_vreg.gather [hbm4b:s5+s3], $0x80, v4, vm0, $0xb8;
	[tilespmem:$0x18200] =	vst v63  }
0x47: {  	s21 =	simm.s32 $0x7200  }
0x48: {  	[tilespmem:s21], [sflag:$0x1] =	stream.indirect_vreg.gather [hbm4b:s6+s3], $0x80, v4, vm0, $0xb8;
	[tilespmem:$0x18200] =	vst v63  }
0x49: {  	s22 =	simm.s32 $0x7A00  }
0x4a: {  	[tilespmem:s22], [sflag:$0x1] =	stream.indirect_vreg.gather [hbm4b:s1+s3], $0x80, v3, vm0, $0xb8;
	[tilespmem:$0x18200] =	vst v63  }
0x4b: {  	s23 =	simm.s32 $0x8200  }
0x4c: {  	[tilespmem:s23], [sflag:$0x1] =	stream.indirect_vreg.gather [hbm4b:s5+s3], $0x80, v3, vm0, $0xb8;
	[tilespmem:$0x18200] =	vst v63  }
0x4d: {  	s24 =	simm.s32 $0x8A00  }
0x4e: {  	[tilespmem:s24], [sflag:$0x1] =	stream.indirect_vreg.gather [hbm4b:s6+s3], $0x80, v3, vm0, $0xb8;
	[tilespmem:$0x18200] =	vst v63  }
0x4f: {  	v3 =	vld [tilespmem:$0x30];
	_ =	sdelay $0x4  }
0x50: {  	v35 =	vshrl.u32 v3, $0x3  }
0x51: {  	v4 =	vmul.u32 $0x30, v35  }
0x52: {  	v3 =	vand.u32 $0x7, v3  }
0x53: {  	v3 =	vor.u32 v3, v4  }
0x54: {  	v4 =	vperm.xlane v3, v0;
	_ =	sdelay $0x1  }
0x55: {  	v4 =	vadd.s32 v1, v4;
	_ =	sdelay $0x3  }
0x56: {  	s28 =	simm.s32 $0x9200;
	v3 =	vperm.xlane v3, v2  }
0x57: {  	[tilespmem:s28], [sflag:$0x1] =	stream.indirect_vreg.gather [hbm4b:s1+s3], $0x80, v4, vm0, $0xb8;
	[tilespmem:$0x18200] =	vst v63  }
0x58: {  	s29 =	simm.s32 $0x9A00;
	v3 =	vadd.s32 v1, v3  }
0x59: {  	[tilespmem:s29], [sflag:$0x1] =	stream.indirect_vreg.gather [hbm4b:s5+s3], $0x80, v4, vm0, $0xb8;
	[tilespmem:$0x18200] =	vst v63  }
0x5a: {  	s2 =	simm.s32 $0xA200  }
0x5b: {  	[tilespmem:s2], [sflag:$0x1] =	stream.indirect_vreg.gather [hbm4b:s6+s3], $0x80, v4, vm0, $0xb8;
	[tilespmem:$0x18200] =	vst v63  }
0x5c: {  	s9 =	simm.s32 $0xAA00  }
0x5d: {  	[tilespmem:s9], [sflag:$0x1] =	stream.indirect_vreg.gather [hbm4b:s1+s3], $0x80, v3, vm0, $0xb8;
	[tilespmem:$0x18200] =	vst v63  }
0x5e: {  	s12 =	simm.s32 $0xB200  }
0x5f: {  	[tilespmem:s12], [sflag:$0x1] =	stream.indirect_vreg.gather [hbm4b:s5+s3], $0x80, v3, vm0, $0xb8;
	[tilespmem:$0x18200] =	vst v63  }
0x60: {  	s15 =	simm.s32 $0xBA00  }
0x61: {  	[tilespmem:s15], [sflag:$0x1] =	stream.indirect_vreg.gather [hbm4b:s6+s3], $0x80, v3, vm0, $0xb8;
	[tilespmem:$0x18200] =	vst v63  }
0x62: {  	v3 =	vld [tilespmem:$0x40];
	_ =	sdelay $0x4  }
0x63: {  	v36 =	vshrl.u32 v3, $0x3  }
0x64: {  	v4 =	vmul.u32 $0x30, v36  }
0x65: {  	v3 =	vand.u32 $0x7, v3  }
0x66: {  	v3 =	vor.u32 v3, v4  }
0x67: {  	v4 =	vperm.xlane v3, v0;
	_ =	sdelay $0x1  }
0x68: {  	v4 =	vadd.s32 v1, v4;
	_ =	sdelay $0x3  }
0x69: {  	v3 =	vperm.xlane v3, v2  }
0x6a: {  	[tilespmem:s4], [sflag:$0x2] =	stream.indirect_vreg.gather [hbm4b:s1+s3], $0x80, v4, vm0, $0xb8;
	[tilespmem:$0x18200] =	vst v63  }
0x6b: {  	s17 =	simm.s32 $0xCA00;
	v3 =	vadd.s32 v1, v3  }
0x6c: {  	[tilespmem:s17], [sflag:$0x2] =	stream.indirect_vreg.gather [hbm4b:s5+s3], $0x80, v4, vm0, $0xb8;
	[tilespmem:$0x18200] =	vst v63  }
0x6d: {  	s18 =	simm.s32 $0xD200  }
0x6e: {  	[tilespmem:s18], [sflag:$0x2] =	stream.indirect_vreg.gather [hbm4b:s6+s3], $0x80, v4, vm0, $0xb8;
	[tilespmem:$0x18200] =	vst v63  }
0x6f: {  	s19 =	simm.s32 $0xDA00  }
0x70: {  	[tilespmem:s19], [sflag:$0x2] =	stream.indirect_vreg.gather [hbm4b:s1+s3], $0x80, v3, vm0, $0xb8;
	[tilespmem:$0x18200] =	vst v63  }
0x71: {  	s20 =	simm.s32 $0xE200  }
0x72: {  	[tilespmem:s20], [sflag:$0x2] =	stream.indirect_vreg.gather [hbm4b:s5+s3], $0x80, v3, vm0, $0xb8;
	[tilespmem:$0x18200] =	vst v63  }
0x73: {  	s21 =	simm.s32 $0xEA00  }
0x74: {  	[tilespmem:s21], [sflag:$0x2] =	stream.indirect_vreg.gather [hbm4b:s6+s3], $0x80, v3, vm0, $0xb8;
	[tilespmem:$0x18200] =	vst v63  }
0x75: {  	v3 =	vld [tilespmem:$0x50];
	_ =	sdelay $0x4  }
0x76: {  	v37 =	vshrl.u32 v3, $0x3  }
0x77: {  	v4 =	vmul.u32 $0x30, v37  }
0x78: {  	v3 =	vand.u32 $0x7, v3  }
0x79: {  	v3 =	vor.u32 v3, v4  }
0x7a: {  	v4 =	vperm.xlane v3, v0;
	_ =	sdelay $0x1  }
0x7b: {  	v4 =	vadd.s32 v1, v4;
	_ =	sdelay $0x3  }
0x7c: {  	s22 =	simm.s32 $0xF200;
	v3 =	vperm.xlane v3, v2  }
0x7d: {  	[tilespmem:s22], [sflag:$0x2] =	stream.indirect_vreg.gather [hbm4b:s1+s3], $0x80, v4, vm0, $0xb8;
	[tilespmem:$0x18200] =	vst v63  }
0x7e: {  	s23 =	simm.s32 $0xFA00;
	v3 =	vadd.s32 v1, v3  }
0x7f: {  	[tilespmem:s23], [sflag:$0x2] =	stream.indirect_vreg.gather [hbm4b:s5+s3], $0x80, v4, vm0, $0xb8;
	[tilespmem:$0x18200] =	vst v63  }
0x80: {  	s24 =	simm.s32 $0x10200  }
0x81: {  	[tilespmem:s24], [sflag:$0x2] =	stream.indirect_vreg.gather [hbm4b:s6+s3], $0x80, v4, vm0, $0xb8;
	[tilespmem:$0x18200] =	vst v63  }
0x82: {  	s28 =	simm.s32 $0x10A00  }
0x83: {  	[tilespmem:s28], [sflag:$0x2] =	stream.indirect_vreg.gather [hbm4b:s1+s3], $0x80, v3, vm0, $0xb8;
	[tilespmem:$0x18200] =	vst v63  }
0x84: {  	s29 =	simm.s32 $0x11200  }
0x85: {  	[tilespmem:s29], [sflag:$0x2] =	stream.indirect_vreg.gather [hbm4b:s5+s3], $0x80, v3, vm0, $0xb8;
	[tilespmem:$0x18200] =	vst v63  }
0x86: {  	s0 =	simm.s32 $0x11A00  }
0x87: {  	[tilespmem:s0], [sflag:$0x2] =	stream.indirect_vreg.gather [hbm4b:s6+s3], $0x80, v3, vm0, $0xb8;
	[tilespmem:$0x18200] =	vst v63  }
0x88: {  	v3 =	vld [tilespmem:$0x60];
	_ =	sdelay $0x4  }
0x89: {  	v38 =	vshrl.u32 v3, $0x3  }
0x8a: {  	v4 =	vmul.u32 $0x30, v38  }
0x8b: {  	v3 =	vand.u32 $0x7, v3  }
0x8c: {  	v3 =	vor.u32 v3, v4  }
0x8d: {  	v4 =	vperm.xlane v3, v0;
	_ =	sdelay $0x1  }
0x8e: {  	v4 =	vadd.s32 v1, v4;
	_ =	sdelay $0x3  }
0x8f: {  	s2 =	simm.s32 $0x12200;
	v3 =	vperm.xlane v3, v2  }
0x90: {  	[tilespmem:s2], [sflag:$0x2] =	stream.indirect_vreg.gather [hbm4b:s1+s3], $0x80, v4, vm0, $0xb8;
	[tilespmem:$0x18200] =	vst v63  }
0x91: {  	s9 =	simm.s32 $0x12A00;
	v3 =	vadd.s32 v1, v3  }
0x92: {  	[tilespmem:s9], [sflag:$0x2] =	stream.indirect_vreg.gather [hbm4b:s5+s3], $0x80, v4, vm0, $0xb8;
	[tilespmem:$0x18200] =	vst v63  }
0x93: {  	s17 =	simm.s32 $0x13200  }
0x94: {  	[tilespmem:s17], [sflag:$0x2] =	stream.indirect_vreg.gather [hbm4b:s6+s3], $0x80, v4, vm0, $0xb8;
	[tilespmem:$0x18200] =	vst v63  }
0x95: {  	s20 =	simm.s32 $0x13A00  }
0x96: {  	[tilespmem:s20], [sflag:$0x2] =	stream.indirect_vreg.gather [hbm4b:s1+s3], $0x80, v3, vm0, $0xb8;
	[tilespmem:$0x18200] =	vst v63  }
0x97: {  	s21 =	simm.s32 $0x14200  }
0x98: {  	[tilespmem:s21], [sflag:$0x2] =	stream.indirect_vreg.gather [hbm4b:s5+s3], $0x80, v3, vm0, $0xb8;
	[tilespmem:$0x18200] =	vst v63  }
0x99: {  	s22 =	simm.s32 $0x14A00  }
0x9a: {  	[tilespmem:s22], [sflag:$0x2] =	stream.indirect_vreg.gather [hbm4b:s6+s3], $0x80, v3, vm0, $0xb8;
	[tilespmem:$0x18200] =	vst v63  }
0x9b: {  	v3 =	vld [tilespmem:$0x70];
	_ =	sdelay $0x4  }
0x9c: {  	v39 =	vshrl.u32 v3, $0x3  }
0x9d: {  	v4 =	vmul.u32 $0x30, v39  }
0x9e: {  	v3 =	vand.u32 $0x7, v3  }
0x9f: {  	v3 =	vor.u32 v3, v4  }
0xa0: {  	v4 =	vperm.xlane v3, v0;
	_ =	sdelay $0x1  }
0xa1: {  	v4 =	vadd.s32 v1, v4;
	_ =	sdelay $0x3  }
0xa2: {  	s23 =	simm.s32 $0x15200;
	v3 =	vperm.xlane v3, v2  }
0xa3: {  	[tilespmem:s23], [sflag:$0x2] =	stream.indirect_vreg.gather [hbm4b:s1+s3], $0x80, v4, vm0, $0xb8;
	[tilespmem:$0x18200] =	vst v63  }
0xa4: {  	s24 =	simm.s32 $0x15A00;
	v3 =	vadd.s32 v1, v3  }
0xa5: {  	[tilespmem:s24], [sflag:$0x2] =	stream.indirect_vreg.gather [hbm4b:s5+s3], $0x80, v4, vm0, $0xb8;
	[tilespmem:$0x18200] =	vst v63  }
0xa6: {  	s28 =	simm.s32 $0x16200  }
0xa7: {  	[tilespmem:s28], [sflag:$0x2] =	stream.indirect_vreg.gather [hbm4b:s6+s3], $0x80, v4, vm0, $0xb8;
	[tilespmem:$0x18200] =	vst v63  }
0xa8: {  	s29 =	simm.s32 $0x16A00  }
0xa9: {  	[tilespmem:s29], [sflag:$0x2] =	stream.indirect_vreg.gather [hbm4b:s1+s3], $0x80, v3, vm0, $0xb8;
	[tilespmem:$0x18200] =	vst v63  }
0xaa: {  	s0 =	simm.s32 $0x17200  }
0xab: {  	[tilespmem:s0], [sflag:$0x2] =	stream.indirect_vreg.gather [hbm4b:s5+s3], $0x80, v3, vm0, $0xb8;
	[tilespmem:$0x18200] =	vst v63  }
0xac: {  	s2 =	simm.s32 $0x17A00  }
0xad: {  	[tilespmem:s2], [sflag:$0x2] =	stream.indirect_vreg.gather [hbm4b:s6+s3], $0x80, v3, vm0, $0xb8;
	[tilespmem:$0x18200] =	vst v63  }
0xae: {  	_ =	swait.ge [sflag:s10], $0xC000  }
0xaf: {  	[sflag:s10] =	ssyncset.done $0x0  }
0xb0: {  	s9 =	rddreg [dreg:$0xc];
	[sflag:s10] =	ssyncadd.s32 $0xFFFF4000  }
0xb1: {  	[hbm4b:s9+s3] =	stream.linear.scatter [tilespmem:s16], [sflag:$0x3], $0xC000, $0x38;
	[tilespmem:$0x18200] =	vst v63  }
0xb2: {  	_ =	swait.ge [sflag:s8], $0xC000  }
0xb3: {  	[sflag:s8] =	ssyncset.done $0x0  }
0xb4: {  	[sflag:s8] =	ssyncadd.s32 $0xFFFF4000  }
0xb5: {  	v3 =	vld [tilespmem:$0x80];
	_ =	sdelay $0x4  }
0xb6: {  	v40 =	vshrl.u32 v3, $0x3  }
0xb7: {  	v4 =	vmul.u32 $0x30, v40  }
0xb8: {  	v3 =	vand.u32 $0x7, v3  }
0xb9: {  	v3 =	vor.u32 v3, v4  }
0xba: {  	v4 =	vperm.xlane v3, v0;
	_ =	sdelay $0x1  }
0xbb: {  	v4 =	vadd.s32 v1, v4;
	_ =	sdelay $0x3  }
0xbc: {  	v3 =	vperm.xlane v3, v2  }
0xbd: {  	[tilespmem:s16], [sflag:$0x1] =	stream.indirect_vreg.gather [hbm4b:s1+s3], $0x80, v4, vm0, $0xb8;
	[tilespmem:$0x18200] =	vst v63  }
0xbe: {  	s0 =	simm.s32 $0xA00;
	v3 =	vadd.s32 v1, v3  }
0xbf: {  	[tilespmem:s0], [sflag:$0x1] =	stream.indirect_vreg.gather [hbm4b:s5+s3], $0x80, v4, vm0, $0xb8;
	[tilespmem:$0x18200] =	vst v63  }
0xc0: {  	s2 =	simm.s32 $0x1200  }
0xc1: {  	[tilespmem:s2], [sflag:$0x1] =	stream.indirect_vreg.gather [hbm4b:s6+s3], $0x80, v4, vm0, $0xb8;
	[tilespmem:$0x18200] =	vst v63  }
0xc2: {  	s9 =	simm.s32 $0x1A00  }
0xc3: {  	[tilespmem:s9], [sflag:$0x1] =	stream.indirect_vreg.gather [hbm4b:s1+s3], $0x80, v3, vm0, $0xb8;
	[tilespmem:$0x18200] =	vst v63  }
0xc4: {  	s20 =	simm.s32 $0x2200  }
0xc5: {  	[tilespmem:s20], [sflag:$0x1] =	stream.indirect_vreg.gather [hbm4b:s5+s3], $0x80, v3, vm0, $0xb8;
	[tilespmem:$0x18200] =	vst v63  }
0xc6: {  	s13 =	simm.s32 $0x2A00  }
0xc7: {  	[tilespmem:s13], [sflag:$0x1] =	stream.indirect_vreg.gather [hbm4b:s6+s3], $0x80, v3, vm0, $0xb8;
	[tilespmem:$0x18200] =	vst v63  }
0xc8: {  	v3 =	vld [tilespmem:$0x90];
	_ =	sdelay $0x4  }
0xc9: {  	v41 =	vshrl.u32 v3, $0x3  }
0xca: {  	v4 =	vmul.u32 $0x30, v41  }
0xcb: {  	v3 =	vand.u32 $0x7, v3  }
0xcc: {  	v3 =	vor.u32 v3, v4  }
0xcd: {  	v4 =	vperm.xlane v3, v0;
	_ =	sdelay $0x1  }
0xce: {  	v4 =	vadd.s32 v1, v4;
	_ =	sdelay $0x3  }
0xcf: {  	s14 =	simm.s32 $0x3200;
	v3 =	vperm.xlane v3, v2  }
0xd0: {  	[tilespmem:s14], [sflag:$0x1] =	stream.indirect_vreg.gather [hbm4b:s1+s3], $0x80, v4, vm0, $0xb8;
	[tilespmem:$0x18200] =	vst v63  }
0xd1: {  	s21 =	simm.s32 $0x3A00;
	v3 =	vadd.s32 v1, v3  }
0xd2: {  	[tilespmem:s21], [sflag:$0x1] =	stream.indirect_vreg.gather [hbm4b:s5+s3], $0x80, v4, vm0, $0xb8;
	[tilespmem:$0x18200] =	vst v63  }
0xd3: {  	s22 =	simm.s32 $0x4200  }
0xd4: {  	[tilespmem:s22], [sflag:$0x1] =	stream.indirect_vreg.gather [hbm4b:s6+s3], $0x80, v4, vm0, $0xb8;
	[tilespmem:$0x18200] =	vst v63  }
0xd5: {  	s23 =	simm.s32 $0x4A00  }
0xd6: {  	[tilespmem:s23], [sflag:$0x1] =	stream.indirect_vreg.gather [hbm4b:s1+s3], $0x80, v3, vm0, $0xb8;
	[tilespmem:$0x18200] =	vst v63  }
0xd7: {  	s24 =	simm.s32 $0x5200  }
0xd8: {  	[tilespmem:s24], [sflag:$0x1] =	stream.indirect_vreg.gather [hbm4b:s5+s3], $0x80, v3, vm0, $0xb8;
	[tilespmem:$0x18200] =	vst v63  }
0xd9: {  	s25 =	simm.s32 $0x5A00  }
0xda: {  	[tilespmem:s25], [sflag:$0x1] =	stream.indirect_vreg.gather [hbm4b:s6+s3], $0x80, v3, vm0, $0xb8;
	[tilespmem:$0x18200] =	vst v63  }
0xdb: {  	v3 =	vld [tilespmem:$0xA0];
	_ =	sdelay $0x4  }
0xdc: {  	v42 =	vshrl.u32 v3, $0x3  }
0xdd: {  	v4 =	vmul.u32 $0x30, v42  }
0xde: {  	v3 =	vand.u32 $0x7, v3  }
0xdf: {  	v3 =	vor.u32 v3, v4  }
0xe0: {  	v4 =	vperm.xlane v3, v0;
	_ =	sdelay $0x1  }
0xe1: {  	v4 =	vadd.s32 v1, v4;
	_ =	sdelay $0x3  }
0xe2: {  	s26 =	simm.s32 $0x6200;
	v3 =	vperm.xlane v3, v2  }
0xe3: {  	[tilespmem:s26], [sflag:$0x1] =	stream.indirect_vreg.gather [hbm4b:s1+s3], $0x80, v4, vm0, $0xb8;
	[tilespmem:$0x18200] =	vst v63  }
0xe4: {  	s25 =	simm.s32 $0x6A00;
	v3 =	vadd.s32 v1, v3  }
0xe5: {  	[tilespmem:s25], [sflag:$0x1] =	stream.indirect_vreg.gather [hbm4b:s5+s3], $0x80, v4, vm0, $0xb8;
	[tilespmem:$0x18200] =	vst v63  }
0xe6: {  	s26 =	simm.s32 $0x7200  }
0xe7: {  	[tilespmem:s26], [sflag:$0x1] =	stream.indirect_vreg.gather [hbm4b:s6+s3], $0x80, v4, vm0, $0xb8;
	[tilespmem:$0x18200] =	vst v63  }
0xe8: {  	s28 =	simm.s32 $0x7A00  }
0xe9: {  	[tilespmem:s28], [sflag:$0x1] =	stream.indirect_vreg.gather [hbm4b:s1+s3], $0x80, v3, vm0, $0xb8;
	[tilespmem:$0x18200] =	vst v63  }
0xea: {  	s29 =	simm.s32 $0x8200  }
0xeb: {  	[tilespmem:s29], [sflag:$0x1] =	stream.indirect_vreg.gather [hbm4b:s5+s3], $0x80, v3, vm0, $0xb8;
	[tilespmem:$0x18200] =	vst v63  }
0xec: {  	s30 =	simm.s32 $0x8A00  }
0xed: {  	[tilespmem:s30], [sflag:$0x1] =	stream.indirect_vreg.gather [hbm4b:s6+s3], $0x80, v3, vm0, $0xb8;
	[tilespmem:$0x18200] =	vst v63  }
0xee: {  	v3 =	vld [tilespmem:$0xB0];
	_ =	sdelay $0x4  }
0xef: {  	v43 =	vshrl.u32 v3, $0x3  }
0xf0: {  	v4 =	vmul.u32 $0x30, v43  }
0xf1: {  	v3 =	vand.u32 $0x7, v3  }
0xf2: {  	v3 =	vor.u32 v3, v4  }
0xf3: {  	v4 =	vperm.xlane v3, v0;
	_ =	sdelay $0x1  }
0xf4: {  	v4 =	vadd.s32 v1, v4;
	_ =	sdelay $0x3  }
0xf5: {  	s31 =	simm.s32 $0x9200;
	v3 =	vperm.xlane v3, v2  }
0xf6: {  	[tilespmem:s31], [sflag:$0x1] =	stream.indirect_vreg.gather [hbm4b:s1+s3], $0x80, v4, vm0, $0xb8;
	[tilespmem:$0x18200] =	vst v63  }
0xf7: {  	s30 =	simm.s32 $0x9A00;
	v3 =	vadd.s32 v1, v3  }
0xf8: {  	[tilespmem:s30], [sflag:$0x1] =	stream.indirect_vreg.gather [hbm4b:s5+s3], $0x80, v4, vm0, $0xb8;
	[tilespmem:$0x18200] =	vst v63  }
0xf9: {  	s31 =	simm.s32 $0xA200  }
0xfa: {  	[tilespmem:s31], [sflag:$0x1] =	stream.indirect_vreg.gather [hbm4b:s6+s3], $0x80, v4, vm0, $0xb8;
	[tilespmem:$0x18200] =	vst v63  }
0xfb: {  	s13 =	simm.s32 $0xAA00  }
0xfc: {  	[tilespmem:s13], [sflag:$0x1] =	stream.indirect_vreg.gather [hbm4b:s1+s3], $0x80, v3, vm0, $0xb8;
	[tilespmem:$0x18200] =	vst v63  }
0xfd: {  	s14 =	simm.s32 $0xB200  }
0xfe: {  	[tilespmem:s14], [sflag:$0x1] =	stream.indirect_vreg.gather [hbm4b:s5+s3], $0x80, v3, vm0, $0xb8;
	[tilespmem:$0x18200] =	vst v63  }
0xff: {  	s15 =	simm.s32 $0xBA00  }
0x100: {  	[tilespmem:s15], [sflag:$0x1] =	stream.indirect_vreg.gather [hbm4b:s6+s3], $0x80, v3, vm0, $0xb8;
	[tilespmem:$0x18200] =	vst v63  }
0x101: {  	_ =	swait.ge [sflag:s11], $0xC000  }
0x102: {  	[sflag:s11] =	ssyncset.done $0x0  }
0x103: {  	s15 =	rddreg [dreg:$0x5];
	[sflag:s11] =	ssyncadd.s32 $0xFFFF4000  }
0x104: {  	[hbm4b:s15+s3] =	stream.linear.scatter [tilespmem:s4], [sflag:$0x3], $0xC000, $0x38;
	[tilespmem:$0x18200] =	vst v63  }
0x105: {  	_ =	swait.ge [sflag:s8], $0xC000  }
0x106: {  	[sflag:s8] =	ssyncset.done $0x0  }
0x107: {  	[sflag:s8] =	ssyncadd.s32 $0xFFFF4000  }
0x108: {  	v3 =	vld [tilespmem:$0xC0];
	_ =	sdelay $0x4  }
0x109: {  	v44 =	vshrl.u32 v3, $0x3  }
0x10a: {  	v4 =	vmul.u32 $0x30, v44  }
0x10b: {  	v3 =	vand.u32 $0x7, v3  }
0x10c: {  	v3 =	vor.u32 v3, v4  }
0x10d: {  	v4 =	vperm.xlane v3, v0;
	_ =	sdelay $0x1  }
0x10e: {  	v4 =	vadd.s32 v1, v4;
	_ =	sdelay $0x3  }
0x10f: {  	v3 =	vperm.xlane v3, v2  }
0x110: {  	[tilespmem:s4], [sflag:$0x2] =	stream.indirect_vreg.gather [hbm4b:s1+s3], $0x80, v4, vm0, $0xb8;
	[tilespmem:$0x18200] =	vst v63  }
0x111: {  	s15 =	simm.s32 $0xCA00;
	v3 =	vadd.s32 v1, v3  }
0x112: {  	[tilespmem:s15], [sflag:$0x2] =	stream.indirect_vreg.gather [hbm4b:s5+s3], $0x80, v4, vm0, $0xb8;
	[tilespmem:$0x18200] =	vst v63  }
0x113: {  	s12 =	simm.s32 $0xD200  }
0x114: {  	[tilespmem:s12], [sflag:$0x2] =	stream.indirect_vreg.gather [hbm4b:s6+s3], $0x80, v4, vm0, $0xb8;
	[tilespmem:$0x18200] =	vst v63  }
0x115: {  	s12 =	simm.s32 $0xDA00  }
0x116: {  	[tilespmem:s12], [sflag:$0x2] =	stream.indirect_vreg.gather [hbm4b:s1+s3], $0x80, v3, vm0, $0xb8;
	[tilespmem:$0x18200] =	vst v63  }
0x117: {  	s12 =	simm.s32 $0xE200  }
0x118: {  	[tilespmem:s12], [sflag:$0x2] =	stream.indirect_vreg.gather [hbm4b:s5+s3], $0x80, v3, vm0, $0xb8;
	[tilespmem:$0x18200] =	vst v63  }
0x119: {  	s18 =	simm.s32 $0xEA00  }
0x11a: {  	[tilespmem:s18], [sflag:$0x2] =	stream.indirect_vreg.gather [hbm4b:s6+s3], $0x80, v3, vm0, $0xb8;
	[tilespmem:$0x18200] =	vst v63  }
0x11b: {  	v3 =	vld [tilespmem:$0xD0];
	_ =	sdelay $0x4  }
0x11c: {  	v45 =	vshrl.u32 v3, $0x3  }
0x11d: {  	v4 =	vmul.u32 $0x30, v45  }
0x11e: {  	v3 =	vand.u32 $0x7, v3  }
0x11f: {  	v3 =	vor.u32 v3, v4  }
0x120: {  	v4 =	vperm.xlane v3, v0;
	_ =	sdelay $0x1  }
0x121: {  	v4 =	vadd.s32 v1, v4;
	_ =	sdelay $0x3  }
0x122: {  	s19 =	simm.s32 $0xF200;
	v3 =	vperm.xlane v3, v2  }
0x123: {  	[tilespmem:s19], [sflag:$0x2] =	stream.indirect_vreg.gather [hbm4b:s1+s3], $0x80, v4, vm0, $0xb8;
	[tilespmem:$0x18200] =	vst v63  }
0x124: {  	v3 =	vadd.s32 v1, v3;
	s19 =	simm.s32 $0xFA00  }
0x125: {  	[tilespmem:s19], [sflag:$0x2] =	stream.indirect_vreg.gather [hbm4b:s5+s3], $0x80, v4, vm0, $0xb8;
	[tilespmem:$0x18200] =	vst v63  }
0x126: {  	s18 =	simm.s32 $0x10200  }
0x127: {  	[tilespmem:s18], [sflag:$0x2] =	stream.indirect_vreg.gather [hbm4b:s6+s3], $0x80, v4, vm0, $0xb8;
	[tilespmem:$0x18200] =	vst v63  }
0x128: {  	s19 =	simm.s32 $0x10A00  }
0x129: {  	[tilespmem:s19], [sflag:$0x2] =	stream.indirect_vreg.gather [hbm4b:s1+s3], $0x80, v3, vm0, $0xb8;
	[tilespmem:$0x18200] =	vst v63  }
0x12a: {  	s18 =	simm.s32 $0x11200  }
0x12b: {  	[tilespmem:s18], [sflag:$0x2] =	stream.indirect_vreg.gather [hbm4b:s5+s3], $0x80, v3, vm0, $0xb8;
	[tilespmem:$0x18200] =	vst v63  }
0x12c: {  	s19 =	simm.s32 $0x11A00  }
0x12d: {  	[tilespmem:s19], [sflag:$0x2] =	stream.indirect_vreg.gather [hbm4b:s6+s3], $0x80, v3, vm0, $0xb8;
	[tilespmem:$0x18200] =	vst v63  }
0x12e: {  	v3 =	vld [tilespmem:$0xE0];
	_ =	sdelay $0x4  }
0x12f: {  	v46 =	vshrl.u32 v3, $0x3  }
0x130: {  	v4 =	vmul.u32 $0x30, v46  }
0x131: {  	v3 =	vand.u32 $0x7, v3  }
0x132: {  	v3 =	vor.u32 v3, v4  }
0x133: {  	v4 =	vperm.xlane v3, v0;
	_ =	sdelay $0x1  }
0x134: {  	v4 =	vadd.s32 v1, v4;
	_ =	sdelay $0x3  }
0x135: {  	s18 =	simm.s32 $0x12200;
	v3 =	vperm.xlane v3, v2  }
0x136: {  	[tilespmem:s18], [sflag:$0x2] =	stream.indirect_vreg.gather [hbm4b:s1+s3], $0x80, v4, vm0, $0xb8;
	[tilespmem:$0x18200] =	vst v63  }
0x137: {  	s19 =	simm.s32 $0x12A00;
	v3 =	vadd.s32 v1, v3  }
0x138: {  	[tilespmem:s19], [sflag:$0x2] =	stream.indirect_vreg.gather [hbm4b:s5+s3], $0x80, v4, vm0, $0xb8;
	[tilespmem:$0x18200] =	vst v63  }
0x139: {  	s18 =	simm.s32 $0x13200  }
0x13a: {  	[tilespmem:s18], [sflag:$0x2] =	stream.indirect_vreg.gather [hbm4b:s6+s3], $0x80, v4, vm0, $0xb8;
	[tilespmem:$0x18200] =	vst v63  }
0x13b: {  	s19 =	simm.s32 $0x13A00  }
0x13c: {  	[tilespmem:s19], [sflag:$0x2] =	stream.indirect_vreg.gather [hbm4b:s1+s3], $0x80, v3, vm0, $0xb8;
	[tilespmem:$0x18200] =	vst v63  }
0x13d: {  	s18 =	simm.s32 $0x14200  }
0x13e: {  	[tilespmem:s18], [sflag:$0x2] =	stream.indirect_vreg.gather [hbm4b:s5+s3], $0x80, v3, vm0, $0xb8;
	[tilespmem:$0x18200] =	vst v63  }
0x13f: {  	s19 =	simm.s32 $0x14A00  }
0x140: {  	[tilespmem:s19], [sflag:$0x2] =	stream.indirect_vreg.gather [hbm4b:s6+s3], $0x80, v3, vm0, $0xb8;
	[tilespmem:$0x18200] =	vst v63  }
0x141: {  	v3 =	vld [tilespmem:$0xF0];
	_ =	sdelay $0x4  }
0x142: {  	v47 =	vshrl.u32 v3, $0x3  }
0x143: {  	v4 =	vmul.u32 $0x30, v47  }
0x144: {  	v3 =	vand.u32 $0x7, v3  }
0x145: {  	v3 =	vor.u32 v3, v4  }
0x146: {  	v4 =	vperm.xlane v3, v0;
	_ =	sdelay $0x1  }
0x147: {  	v4 =	vadd.s32 v1, v4;
	_ =	sdelay $0x3  }
0x148: {  	s18 =	simm.s32 $0x15200;
	v3 =	vperm.xlane v3, v2  }
0x149: {  	[tilespmem:s18], [sflag:$0x2] =	stream.indirect_vreg.gather [hbm4b:s1+s3], $0x80, v4, vm0, $0xb8;
	[tilespmem:$0x18200] =	vst v63  }
0x14a: {  	s19 =	simm.s32 $0x15A00;
	v3 =	vadd.s32 v1, v3  }
0x14b: {  	[tilespmem:s19], [sflag:$0x2] =	stream.indirect_vreg.gather [hbm4b:s5+s3], $0x80, v4, vm0, $0xb8;
	[tilespmem:$0x18200] =	vst v63  }
0x14c: {  	s18 =	simm.s32 $0x16200  }
0x14d: {  	[tilespmem:s18], [sflag:$0x2] =	stream.indirect_vreg.gather [hbm4b:s6+s3], $0x80, v4, vm0, $0xb8;
	[tilespmem:$0x18200] =	vst v63  }
0x14e: {  	s19 =	simm.s32 $0x16A00  }
0x14f: {  	[tilespmem:s19], [sflag:$0x2] =	stream.indirect_vreg.gather [hbm4b:s1+s3], $0x80, v3, vm0, $0xb8;
	[tilespmem:$0x18200] =	vst v63  }
0x150: {  	s18 =	simm.s32 $0x17200  }
0x151: {  	[tilespmem:s18], [sflag:$0x2] =	stream.indirect_vreg.gather [hbm4b:s5+s3], $0x80, v3, vm0, $0xb8;
	[tilespmem:$0x18200] =	vst v63  }
0x152: {  	s17 =	simm.s32 $0x17A00  }
0x153: {  	[tilespmem:s17], [sflag:$0x2] =	stream.indirect_vreg.gather [hbm4b:s6+s3], $0x80, v3, vm0, $0xb8;
	[tilespmem:$0x18200] =	vst v63  }
0x154: {  	_ =	swait.ge [sflag:s10], $0xC000  }
0x155: {  	[sflag:s10] =	ssyncset.done $0x0  }
0x156: {  	s19 =	rddreg [dreg:$0x6];
	[sflag:s10] =	ssyncadd.s32 $0xFFFF4000  }
0x157: {  	[hbm4b:s19+s3] =	stream.linear.scatter [tilespmem:s16], [sflag:$0x3], $0xC000, $0x38;
	[tilespmem:$0x18200] =	vst v63  }
0x158: {  	_ =	swait.ge [sflag:s8], $0xC000  }
0x159: {  	[sflag:s8] =	ssyncset.done $0x0  }
0x15a: {  	[sflag:s8] =	ssyncadd.s32 $0xFFFF4000  }
0x15b: {  	v3 =	vld [tilespmem:$0x100];
	_ =	sdelay $0x4  }
0x15c: {  	v48 =	vshrl.u32 v3, $0x3  }
0x15d: {  	v4 =	vmul.u32 $0x30, v48  }
0x15e: {  	v3 =	vand.u32 $0x7, v3  }
0x15f: {  	v3 =	vor.u32 v3, v4  }
0x160: {  	v4 =	vperm.xlane v3, v0;
	_ =	sdelay $0x1  }
0x161: {  	v4 =	vadd.s32 v1, v4;
	_ =	sdelay $0x3  }
0x162: {  	v3 =	vperm.xlane v3, v2  }
0x163: {  	[tilespmem:s16], [sflag:$0x1] =	stream.indirect_vreg.gather [hbm4b:s1+s3], $0x80, v4, vm0, $0xb8;
	[tilespmem:$0x18200] =	vst v63  }
0x164: {  	v3 =	vadd.s32 v1, v3  }
0x165: {  	[tilespmem:s0], [sflag:$0x1] =	stream.indirect_vreg.gather [hbm4b:s5+s3], $0x80, v4, vm0, $0xb8;
	[tilespmem:$0x18200] =	vst v63  }
0x166: {  	_ = 	snop  }
0x167: {  	[tilespmem:s2], [sflag:$0x1] =	stream.indirect_vreg.gather [hbm4b:s6+s3], $0x80, v4, vm0, $0xb8;
	[tilespmem:$0x18200] =	vst v63  }
0x168: {  	_ = 	snop  }
0x169: {  	[tilespmem:s9], [sflag:$0x1] =	stream.indirect_vreg.gather [hbm4b:s1+s3], $0x80, v3, vm0, $0xb8;
	[tilespmem:$0x18200] =	vst v63  }
0x16a: {  	_ = 	snop  }
0x16b: {  	[tilespmem:s20], [sflag:$0x1] =	stream.indirect_vreg.gather [hbm4b:s5+s3], $0x80, v3, vm0, $0xb8;
	[tilespmem:$0x18200] =	vst v63  }
0x16c: {  	s20 =	simm.s32 $0x2A00  }
0x16d: {  	[tilespmem:s20], [sflag:$0x1] =	stream.indirect_vreg.gather [hbm4b:s6+s3], $0x80, v3, vm0, $0xb8;
	[tilespmem:$0x18200] =	vst v63  }
0x16e: {  	v3 =	vld [tilespmem:$0x110];
	_ =	sdelay $0x4  }
0x16f: {  	v49 =	vshrl.u32 v3, $0x3  }
0x170: {  	v4 =	vmul.u32 $0x30, v49  }
0x171: {  	v3 =	vand.u32 $0x7, v3  }
0x172: {  	v3 =	vor.u32 v3, v4  }
0x173: {  	v4 =	vperm.xlane v3, v0;
	_ =	sdelay $0x1  }
0x174: {  	v4 =	vadd.s32 v1, v4;
	_ =	sdelay $0x3  }
0x175: {  	s18 =	simm.s32 $0x3200;
	v3 =	vperm.xlane v3, v2  }
0x176: {  	[tilespmem:s18], [sflag:$0x1] =	stream.indirect_vreg.gather [hbm4b:s1+s3], $0x80, v4, vm0, $0xb8;
	[tilespmem:$0x18200] =	vst v63  }
0x177: {  	v3 =	vadd.s32 v1, v3  }
0x178: {  	[tilespmem:s21], [sflag:$0x1] =	stream.indirect_vreg.gather [hbm4b:s5+s3], $0x80, v4, vm0, $0xb8;
	[tilespmem:$0x18200] =	vst v63  }
0x179: {  	_ = 	snop  }
0x17a: {  	[tilespmem:s22], [sflag:$0x1] =	stream.indirect_vreg.gather [hbm4b:s6+s3], $0x80, v4, vm0, $0xb8;
	[tilespmem:$0x18200] =	vst v63  }
0x17b: {  	_ = 	snop  }
0x17c: {  	[tilespmem:s23], [sflag:$0x1] =	stream.indirect_vreg.gather [hbm4b:s1+s3], $0x80, v3, vm0, $0xb8;
	[tilespmem:$0x18200] =	vst v63  }
0x17d: {  	_ = 	snop  }
0x17e: {  	[tilespmem:s24], [sflag:$0x1] =	stream.indirect_vreg.gather [hbm4b:s5+s3], $0x80, v3, vm0, $0xb8;
	[tilespmem:$0x18200] =	vst v63  }
0x17f: {  	s19 =	simm.s32 $0x5A00  }
0x180: {  	[tilespmem:s19], [sflag:$0x1] =	stream.indirect_vreg.gather [hbm4b:s6+s3], $0x80, v3, vm0, $0xb8;
	[tilespmem:$0x18200] =	vst v63  }
0x181: {  	v3 =	vld [tilespmem:$0x120];
	_ =	sdelay $0x4  }
0x182: {  	v50 =	vshrl.u32 v3, $0x3  }
0x183: {  	v4 =	vmul.u32 $0x30, v50  }
0x184: {  	v3 =	vand.u32 $0x7, v3  }
0x185: {  	v3 =	vor.u32 v3, v4  }
0x186: {  	v4 =	vperm.xlane v3, v0;
	_ =	sdelay $0x1  }
0x187: {  	v4 =	vadd.s32 v1, v4;
	_ =	sdelay $0x3  }
0x188: {  	s24 =	simm.s32 $0x6200;
	v3 =	vperm.xlane v3, v2  }
0x189: {  	[tilespmem:s24], [sflag:$0x1] =	stream.indirect_vreg.gather [hbm4b:s1+s3], $0x80, v4, vm0, $0xb8;
	[tilespmem:$0x18200] =	vst v63  }
0x18a: {  	v3 =	vadd.s32 v1, v3  }
0x18b: {  	[tilespmem:s25], [sflag:$0x1] =	stream.indirect_vreg.gather [hbm4b:s5+s3], $0x80, v4, vm0, $0xb8;
	[tilespmem:$0x18200] =	vst v63  }
0x18c: {  	_ = 	snop  }
0x18d: {  	[tilespmem:s26], [sflag:$0x1] =	stream.indirect_vreg.gather [hbm4b:s6+s3], $0x80, v4, vm0, $0xb8;
	[tilespmem:$0x18200] =	vst v63  }
0x18e: {  	_ = 	snop  }
0x18f: {  	[tilespmem:s28], [sflag:$0x1] =	stream.indirect_vreg.gather [hbm4b:s1+s3], $0x80, v3, vm0, $0xb8;
	[tilespmem:$0x18200] =	vst v63  }
0x190: {  	_ = 	snop  }
0x191: {  	[tilespmem:s29], [sflag:$0x1] =	stream.indirect_vreg.gather [hbm4b:s5+s3], $0x80, v3, vm0, $0xb8;
	[tilespmem:$0x18200] =	vst v63  }
0x192: {  	s29 =	simm.s32 $0x8A00  }
0x193: {  	[tilespmem:s29], [sflag:$0x1] =	stream.indirect_vreg.gather [hbm4b:s6+s3], $0x80, v3, vm0, $0xb8;
	[tilespmem:$0x18200] =	vst v63  }
0x194: {  	v3 =	vld [tilespmem:$0x130];
	_ =	sdelay $0x4  }
0x195: {  	v51 =	vshrl.u32 v3, $0x3  }
0x196: {  	v4 =	vmul.u32 $0x30, v51  }
0x197: {  	v3 =	vand.u32 $0x7, v3  }
0x198: {  	v3 =	vor.u32 v3, v4  }
0x199: {  	v4 =	vperm.xlane v3, v0;
	_ =	sdelay $0x1  }
0x19a: {  	v4 =	vadd.s32 v1, v4;
	_ =	sdelay $0x3  }
0x19b: {  	s18 =	simm.s32 $0x9200;
	v3 =	vperm.xlane v3, v2  }
0x19c: {  	[tilespmem:s18], [sflag:$0x1] =	stream.indirect_vreg.gather [hbm4b:s1+s3], $0x80, v4, vm0, $0xb8;
	[tilespmem:$0x18200] =	vst v63  }
0x19d: {  	v3 =	vadd.s32 v1, v3  }
0x19e: {  	[tilespmem:s30], [sflag:$0x1] =	stream.indirect_vreg.gather [hbm4b:s5+s3], $0x80, v4, vm0, $0xb8;
	[tilespmem:$0x18200] =	vst v63  }
0x19f: {  	_ = 	snop  }
0x1a0: {  	[tilespmem:s31], [sflag:$0x1] =	stream.indirect_vreg.gather [hbm4b:s6+s3], $0x80, v4, vm0, $0xb8;
	[tilespmem:$0x18200] =	vst v63  }
0x1a1: {  	_ = 	snop  }
0x1a2: {  	[tilespmem:s13], [sflag:$0x1] =	stream.indirect_vreg.gather [hbm4b:s1+s3], $0x80, v3, vm0, $0xb8;
	[tilespmem:$0x18200] =	vst v63  }
0x1a3: {  	_ = 	snop  }
0x1a4: {  	[tilespmem:s14], [sflag:$0x1] =	stream.indirect_vreg.gather [hbm4b:s5+s3], $0x80, v3, vm0, $0xb8;
	[tilespmem:$0x18200] =	vst v63  }
0x1a5: {  	s19 =	simm.s32 $0xBA00  }
0x1a6: {  	[tilespmem:s19], [sflag:$0x1] =	stream.indirect_vreg.gather [hbm4b:s6+s3], $0x80, v3, vm0, $0xb8;
	[tilespmem:$0x18200] =	vst v63  }
0x1a7: {  	_ =	swait.ge [sflag:s11], $0xC000  }
0x1a8: {  	[sflag:s11] =	ssyncset.done $0x0  }
0x1a9: {  	s31 =	rddreg [dreg:$0x7];
	[sflag:s11] =	ssyncadd.s32 $0xFFFF4000  }
0x1aa: {  	[hbm4b:s31+s3] =	stream.linear.scatter [tilespmem:s4], [sflag:$0x3], $0xC000, $0x38;
	[tilespmem:$0x18200] =	vst v63  }
0x1ab: {  	_ =	swait.ge [sflag:s8], $0xC000  }
0x1ac: {  	[sflag:s8] =	ssyncset.done $0x0  }
0x1ad: {  	[sflag:s8] =	ssyncadd.s32 $0xFFFF4000  }
0x1ae: {  	v3 =	vld [tilespmem:$0x140];
	_ =	sdelay $0x4  }
0x1af: {  	v52 =	vshrl.u32 v3, $0x3  }
0x1b0: {  	v4 =	vmul.u32 $0x30, v52  }
0x1b1: {  	v3 =	vand.u32 $0x7, v3  }
0x1b2: {  	v3 =	vor.u32 v3, v4  }
0x1b3: {  	v4 =	vperm.xlane v3, v0;
	_ =	sdelay $0x1  }
0x1b4: {  	v4 =	vadd.s32 v1, v4;
	_ =	sdelay $0x3  }
0x1b5: {  	v3 =	vperm.xlane v3, v2  }
0x1b6: {  	[tilespmem:s4], [sflag:$0x2] =	stream.indirect_vreg.gather [hbm4b:s1+s3], $0x80, v4, vm0, $0xb8;
	[tilespmem:$0x18200] =	vst v63  }
0x1b7: {  	s15 =	simm.s32 $0xCA00;
	v3 =	vadd.s32 v1, v3  }
0x1b8: {  	[tilespmem:s15], [sflag:$0x2] =	stream.indirect_vreg.gather [hbm4b:s5+s3], $0x80, v4, vm0, $0xb8;
	[tilespmem:$0x18200] =	vst v63  }
0x1b9: {  	s15 =	simm.s32 $0xD200  }
0x1ba: {  	[tilespmem:s15], [sflag:$0x2] =	stream.indirect_vreg.gather [hbm4b:s6+s3], $0x80, v4, vm0, $0xb8;
	[tilespmem:$0x18200] =	vst v63  }
0x1bb: {  	s18 =	simm.s32 $0xDA00  }
0x1bc: {  	[tilespmem:s18], [sflag:$0x2] =	stream.indirect_vreg.gather [hbm4b:s1+s3], $0x80, v3, vm0, $0xb8;
	[tilespmem:$0x18200] =	vst v63  }
0x1bd: {  	s19 =	simm.s32 $0xE200  }
0x1be: {  	[tilespmem:s19], [sflag:$0x2] =	stream.indirect_vreg.gather [hbm4b:s5+s3], $0x80, v3, vm0, $0xb8;
	[tilespmem:$0x18200] =	vst v63  }
0x1bf: {  	s12 =	simm.s32 $0xEA00  }
0x1c0: {  	[tilespmem:s12], [sflag:$0x2] =	stream.indirect_vreg.gather [hbm4b:s6+s3], $0x80, v3, vm0, $0xb8;
	[tilespmem:$0x18200] =	vst v63  }
0x1c1: {  	v3 =	vld [tilespmem:$0x150];
	_ =	sdelay $0x4  }
0x1c2: {  	v53 =	vshrl.u32 v3, $0x3  }
0x1c3: {  	v4 =	vmul.u32 $0x30, v53  }
0x1c4: {  	v3 =	vand.u32 $0x7, v3  }
0x1c5: {  	v3 =	vor.u32 v3, v4  }
0x1c6: {  	v4 =	vperm.xlane v3, v0;
	_ =	sdelay $0x1  }
0x1c7: {  	v4 =	vadd.s32 v1, v4;
	_ =	sdelay $0x3  }
0x1c8: {  	s12 =	simm.s32 $0xF200;
	v3 =	vperm.xlane v3, v2  }
0x1c9: {  	[tilespmem:s12], [sflag:$0x2] =	stream.indirect_vreg.gather [hbm4b:s1+s3], $0x80, v4, vm0, $0xb8;
	[tilespmem:$0x18200] =	vst v63  }
0x1ca: {  	v3 =	vadd.s32 v1, v3;
	s12 =	simm.s32 $0xFA00  }
0x1cb: {  	[tilespmem:s12], [sflag:$0x2] =	stream.indirect_vreg.gather [hbm4b:s5+s3], $0x80, v4, vm0, $0xb8;
	[tilespmem:$0x18200] =	vst v63  }
0x1cc: {  	s12 =	simm.s32 $0x10200  }
0x1cd: {  	[tilespmem:s12], [sflag:$0x2] =	stream.indirect_vreg.gather [hbm4b:s6+s3], $0x80, v4, vm0, $0xb8;
	[tilespmem:$0x18200] =	vst v63  }
0x1ce: {  	s12 =	simm.s32 $0x10A00  }
0x1cf: {  	[tilespmem:s12], [sflag:$0x2] =	stream.indirect_vreg.gather [hbm4b:s1+s3], $0x80, v3, vm0, $0xb8;
	[tilespmem:$0x18200] =	vst v63  }
0x1d0: {  	s12 =	simm.s32 $0x11200  }
0x1d1: {  	[tilespmem:s12], [sflag:$0x2] =	stream.indirect_vreg.gather [hbm4b:s5+s3], $0x80, v3, vm0, $0xb8;
	[tilespmem:$0x18200] =	vst v63  }
0x1d2: {  	s12 =	simm.s32 $0x11A00  }
0x1d3: {  	[tilespmem:s12], [sflag:$0x2] =	stream.indirect_vreg.gather [hbm4b:s6+s3], $0x80, v3, vm0, $0xb8;
	[tilespmem:$0x18200] =	vst v63  }
0x1d4: {  	v3 =	vld [tilespmem:$0x160];
	_ =	sdelay $0x4  }
0x1d5: {  	v54 =	vshrl.u32 v3, $0x3  }
0x1d6: {  	v4 =	vmul.u32 $0x30, v54  }
0x1d7: {  	v3 =	vand.u32 $0x7, v3  }
0x1d8: {  	v3 =	vor.u32 v3, v4  }
0x1d9: {  	v4 =	vperm.xlane v3, v0;
	_ =	sdelay $0x1  }
0x1da: {  	v4 =	vadd.s32 v1, v4;
	_ =	sdelay $0x3  }
0x1db: {  	s12 =	simm.s32 $0x12200;
	v3 =	vperm.xlane v3, v2  }
0x1dc: {  	[tilespmem:s12], [sflag:$0x2] =	stream.indirect_vreg.gather [hbm4b:s1+s3], $0x80, v4, vm0, $0xb8;
	[tilespmem:$0x18200] =	vst v63  }
0x1dd: {  	v3 =	vadd.s32 v1, v3;
	s12 =	simm.s32 $0x12A00  }
0x1de: {  	[tilespmem:s12], [sflag:$0x2] =	stream.indirect_vreg.gather [hbm4b:s5+s3], $0x80, v4, vm0, $0xb8;
	[tilespmem:$0x18200] =	vst v63  }
0x1df: {  	s12 =	simm.s32 $0x13200  }
0x1e0: {  	[tilespmem:s12], [sflag:$0x2] =	stream.indirect_vreg.gather [hbm4b:s6+s3], $0x80, v4, vm0, $0xb8;
	[tilespmem:$0x18200] =	vst v63  }
0x1e1: {  	s12 =	simm.s32 $0x13A00  }
0x1e2: {  	[tilespmem:s12], [sflag:$0x2] =	stream.indirect_vreg.gather [hbm4b:s1+s3], $0x80, v3, vm0, $0xb8;
	[tilespmem:$0x18200] =	vst v63  }
0x1e3: {  	s12 =	simm.s32 $0x14200  }
0x1e4: {  	[tilespmem:s12], [sflag:$0x2] =	stream.indirect_vreg.gather [hbm4b:s5+s3], $0x80, v3, vm0, $0xb8;
	[tilespmem:$0x18200] =	vst v63  }
0x1e5: {  	s12 =	simm.s32 $0x14A00  }
0x1e6: {  	[tilespmem:s12], [sflag:$0x2] =	stream.indirect_vreg.gather [hbm4b:s6+s3], $0x80, v3, vm0, $0xb8;
	[tilespmem:$0x18200] =	vst v63  }
0x1e7: {  	v3 =	vld [tilespmem:$0x170];
	_ =	sdelay $0x4  }
0x1e8: {  	v55 =	vshrl.u32 v3, $0x3  }
0x1e9: {  	v4 =	vmul.u32 $0x30, v55  }
0x1ea: {  	v3 =	vand.u32 $0x7, v3  }
0x1eb: {  	v3 =	vor.u32 v3, v4  }
0x1ec: {  	v4 =	vperm.xlane v3, v0;
	_ =	sdelay $0x1  }
0x1ed: {  	v4 =	vadd.s32 v1, v4;
	_ =	sdelay $0x3  }
0x1ee: {  	s12 =	simm.s32 $0x15200;
	v3 =	vperm.xlane v3, v2  }
0x1ef: {  	[tilespmem:s12], [sflag:$0x2] =	stream.indirect_vreg.gather [hbm4b:s1+s3], $0x80, v4, vm0, $0xb8;
	[tilespmem:$0x18200] =	vst v63  }
0x1f0: {  	v3 =	vadd.s32 v1, v3;
	s12 =	simm.s32 $0x15A00  }
0x1f1: {  	[tilespmem:s12], [sflag:$0x2] =	stream.indirect_vreg.gather [hbm4b:s5+s3], $0x80, v4, vm0, $0xb8;
	[tilespmem:$0x18200] =	vst v63  }
0x1f2: {  	s12 =	simm.s32 $0x16200  }
0x1f3: {  	[tilespmem:s12], [sflag:$0x2] =	stream.indirect_vreg.gather [hbm4b:s6+s3], $0x80, v4, vm0, $0xb8;
	[tilespmem:$0x18200] =	vst v63  }
0x1f4: {  	s12 =	simm.s32 $0x16A00  }
0x1f5: {  	[tilespmem:s12], [sflag:$0x2] =	stream.indirect_vreg.gather [hbm4b:s1+s3], $0x80, v3, vm0, $0xb8;
	[tilespmem:$0x18200] =	vst v63  }
0x1f6: {  	s12 =	simm.s32 $0x17200  }
0x1f7: {  	[tilespmem:s12], [sflag:$0x2] =	stream.indirect_vreg.gather [hbm4b:s5+s3], $0x80, v3, vm0, $0xb8;
	[tilespmem:$0x18200] =	vst v63  }
0x1f8: {  	s12 =	simm.s32 $0x17A00  }
0x1f9: {  	[tilespmem:s12], [sflag:$0x2] =	stream.indirect_vreg.gather [hbm4b:s6+s3], $0x80, v3, vm0, $0xb8;
	[tilespmem:$0x18200] =	vst v63  }
0x1fa: {  	_ =	swait.ge [sflag:s10], $0xC000  }
0x1fb: {  	[sflag:s10] =	ssyncset.done $0x0  }
0x1fc: {  	s12 =	rddreg [dreg:$0x8];
	[sflag:s10] =	ssyncadd.s32 $0xFFFF4000  }
0x1fd: {  	[hbm4b:s12+s3] =	stream.linear.scatter [tilespmem:s16], [sflag:$0x3], $0xC000, $0x38;
	[tilespmem:$0x18200] =	vst v63  }
0x1fe: {  	_ =	swait.ge [sflag:s8], $0xC000  }
0x1ff: {  	[sflag:s8] =	ssyncset.done $0x0  }
0x200: {  	[sflag:s8] =	ssyncadd.s32 $0xFFFF4000  }
0x201: {  	v3 =	vld [tilespmem:$0x180];
	_ =	sdelay $0x4  }
0x202: {  	v56 =	vshrl.u32 v3, $0x3  }
0x203: {  	v4 =	vmul.u32 $0x30, v56  }
0x204: {  	v3 =	vand.u32 $0x7, v3  }
0x205: {  	v3 =	vor.u32 v3, v4  }
0x206: {  	v4 =	vperm.xlane v3, v0;
	_ =	sdelay $0x1  }
0x207: {  	v4 =	vadd.s32 v1, v4;
	_ =	sdelay $0x3  }
0x208: {  	v3 =	vperm.xlane v3, v2  }
0x209: {  	[tilespmem:s16], [sflag:$0x1] =	stream.indirect_vreg.gather [hbm4b:s1+s3], $0x80, v4, vm0, $0xb8;
	[tilespmem:$0x18200] =	vst v63  }
0x20a: {  	s0 =	simm.s32 $0xA00;
	v3 =	vadd.s32 v1, v3  }
0x20b: {  	[tilespmem:s0], [sflag:$0x1] =	stream.indirect_vreg.gather [hbm4b:s5+s3], $0x80, v4, vm0, $0xb8;
	[tilespmem:$0x18200] =	vst v63  }
0x20c: {  	s2 =	simm.s32 $0x1200  }
0x20d: {  	[tilespmem:s2], [sflag:$0x1] =	stream.indirect_vreg.gather [hbm4b:s6+s3], $0x80, v4, vm0, $0xb8;
	[tilespmem:$0x18200] =	vst v63  }
0x20e: {  	s9 =	simm.s32 $0x1A00  }
0x20f: {  	[tilespmem:s9], [sflag:$0x1] =	stream.indirect_vreg.gather [hbm4b:s1+s3], $0x80, v3, vm0, $0xb8;
	[tilespmem:$0x18200] =	vst v63  }
0x210: {  	s17 =	simm.s32 $0x2200  }
0x211: {  	[tilespmem:s17], [sflag:$0x1] =	stream.indirect_vreg.gather [hbm4b:s5+s3], $0x80, v3, vm0, $0xb8;
	[tilespmem:$0x18200] =	vst v63  }
0x212: {  	s12 =	simm.s32 $0x2A00  }
0x213: {  	[tilespmem:s12], [sflag:$0x1] =	stream.indirect_vreg.gather [hbm4b:s6+s3], $0x80, v3, vm0, $0xb8;
	[tilespmem:$0x18200] =	vst v63  }
0x214: {  	v3 =	vld [tilespmem:$0x190];
	_ =	sdelay $0x4  }
0x215: {  	v57 =	vshrl.u32 v3, $0x3  }
0x216: {  	v4 =	vmul.u32 $0x30, v57  }
0x217: {  	v3 =	vand.u32 $0x7, v3  }
0x218: {  	v3 =	vor.u32 v3, v4  }
0x219: {  	v4 =	vperm.xlane v3, v0;
	_ =	sdelay $0x1  }
0x21a: {  	v4 =	vadd.s32 v1, v4;
	_ =	sdelay $0x3  }
0x21b: {  	s17 =	simm.s32 $0x3200;
	v3 =	vperm.xlane v3, v2  }
0x21c: {  	[tilespmem:s17], [sflag:$0x1] =	stream.indirect_vreg.gather [hbm4b:s1+s3], $0x80, v4, vm0, $0xb8;
	[tilespmem:$0x18200] =	vst v63  }
0x21d: {  	s20 =	simm.s32 $0x3A00;
	v3 =	vadd.s32 v1, v3  }
0x21e: {  	[tilespmem:s20], [sflag:$0x1] =	stream.indirect_vreg.gather [hbm4b:s5+s3], $0x80, v4, vm0, $0xb8;
	[tilespmem:$0x18200] =	vst v63  }
0x21f: {  	s21 =	simm.s32 $0x4200  }
0x220: {  	[tilespmem:s21], [sflag:$0x1] =	stream.indirect_vreg.gather [hbm4b:s6+s3], $0x80, v4, vm0, $0xb8;
	[tilespmem:$0x18200] =	vst v63  }
0x221: {  	s22 =	simm.s32 $0x4A00  }
0x222: {  	[tilespmem:s22], [sflag:$0x1] =	stream.indirect_vreg.gather [hbm4b:s1+s3], $0x80, v3, vm0, $0xb8;
	[tilespmem:$0x18200] =	vst v63  }
0x223: {  	s23 =	simm.s32 $0x5200  }
0x224: {  	[tilespmem:s23], [sflag:$0x1] =	stream.indirect_vreg.gather [hbm4b:s5+s3], $0x80, v3, vm0, $0xb8;
	[tilespmem:$0x18200] =	vst v63  }
0x225: {  	s22 =	simm.s32 $0x5A00  }
0x226: {  	[tilespmem:s22], [sflag:$0x1] =	stream.indirect_vreg.gather [hbm4b:s6+s3], $0x80, v3, vm0, $0xb8;
	[tilespmem:$0x18200] =	vst v63  }
0x227: {  	v3 =	vld [tilespmem:$0x1A0];
	_ =	sdelay $0x4  }
0x228: {  	v58 =	vshrl.u32 v3, $0x3  }
0x229: {  	v4 =	vmul.u32 $0x30, v58  }
0x22a: {  	v3 =	vand.u32 $0x7, v3  }
0x22b: {  	v3 =	vor.u32 v3, v4  }
0x22c: {  	v4 =	vperm.xlane v3, v0;
	_ =	sdelay $0x1  }
0x22d: {  	v4 =	vadd.s32 v1, v4;
	_ =	sdelay $0x3  }
0x22e: {  	s23 =	simm.s32 $0x6200;
	v3 =	vperm.xlane v3, v2  }
0x22f: {  	[tilespmem:s23], [sflag:$0x1] =	stream.indirect_vreg.gather [hbm4b:s1+s3], $0x80, v4, vm0, $0xb8;
	[tilespmem:$0x18200] =	vst v63  }
0x230: {  	s24 =	simm.s32 $0x6A00;
	v3 =	vadd.s32 v1, v3  }
0x231: {  	[tilespmem:s24], [sflag:$0x1] =	stream.indirect_vreg.gather [hbm4b:s5+s3], $0x80, v4, vm0, $0xb8;
	[tilespmem:$0x18200] =	vst v63  }
0x232: {  	s25 =	simm.s32 $0x7200  }
0x233: {  	[tilespmem:s25], [sflag:$0x1] =	stream.indirect_vreg.gather [hbm4b:s6+s3], $0x80, v4, vm0, $0xb8;
	[tilespmem:$0x18200] =	vst v63  }
0x234: {  	s26 =	simm.s32 $0x7A00  }
0x235: {  	[tilespmem:s26], [sflag:$0x1] =	stream.indirect_vreg.gather [hbm4b:s1+s3], $0x80, v3, vm0, $0xb8;
	[tilespmem:$0x18200] =	vst v63  }
0x236: {  	s28 =	simm.s32 $0x8200  }
0x237: {  	[tilespmem:s28], [sflag:$0x1] =	stream.indirect_vreg.gather [hbm4b:s5+s3], $0x80, v3, vm0, $0xb8;
	[tilespmem:$0x18200] =	vst v63  }
0x238: {  	s26 =	simm.s32 $0x8A00  }
0x239: {  	[tilespmem:s26], [sflag:$0x1] =	stream.indirect_vreg.gather [hbm4b:s6+s3], $0x80, v3, vm0, $0xb8;
	[tilespmem:$0x18200] =	vst v63  }
0x23a: {  	v3 =	vld [tilespmem:$0x1B0];
	_ =	sdelay $0x4  }
0x23b: {  	v59 =	vshrl.u32 v3, $0x3  }
0x23c: {  	v4 =	vmul.u32 $0x30, v59  }
0x23d: {  	v3 =	vand.u32 $0x7, v3  }
0x23e: {  	v3 =	vor.u32 v3, v4  }
0x23f: {  	v4 =	vperm.xlane v3, v0;
	_ =	sdelay $0x1  }
0x240: {  	v4 =	vadd.s32 v1, v4;
	_ =	sdelay $0x3  }
0x241: {  	s28 =	simm.s32 $0x9200;
	v3 =	vperm.xlane v3, v2  }
0x242: {  	[tilespmem:s28], [sflag:$0x1] =	stream.indirect_vreg.gather [hbm4b:s1+s3], $0x80, v4, vm0, $0xb8;
	[tilespmem:$0x18200] =	vst v63  }
0x243: {  	s29 =	simm.s32 $0x9A00;
	v3 =	vadd.s32 v1, v3  }
0x244: {  	[tilespmem:s29], [sflag:$0x1] =	stream.indirect_vreg.gather [hbm4b:s5+s3], $0x80, v4, vm0, $0xb8;
	[tilespmem:$0x18200] =	vst v63  }
0x245: {  	s30 =	simm.s32 $0xA200  }
0x246: {  	[tilespmem:s30], [sflag:$0x1] =	stream.indirect_vreg.gather [hbm4b:s6+s3], $0x80, v4, vm0, $0xb8;
	[tilespmem:$0x18200] =	vst v63  }
0x247: {  	s13 =	simm.s32 $0xAA00  }
0x248: {  	[tilespmem:s13], [sflag:$0x1] =	stream.indirect_vreg.gather [hbm4b:s1+s3], $0x80, v3, vm0, $0xb8;
	[tilespmem:$0x18200] =	vst v63  }
0x249: {  	s14 =	simm.s32 $0xB200  }
0x24a: {  	[tilespmem:s14], [sflag:$0x1] =	stream.indirect_vreg.gather [hbm4b:s5+s3], $0x80, v3, vm0, $0xb8;
	[tilespmem:$0x18200] =	vst v63  }
0x24b: {  	s29 =	simm.s32 $0xBA00  }
0x24c: {  	[tilespmem:s29], [sflag:$0x1] =	stream.indirect_vreg.gather [hbm4b:s6+s3], $0x80, v3, vm0, $0xb8;
	[tilespmem:$0x18200] =	vst v63  }
0x24d: {  	_ =	swait.ge [sflag:s11], $0xC000  }
0x24e: {  	[sflag:s11] =	ssyncset.done $0x0  }
0x24f: {  	s30 =	rddreg [dreg:$0x9];
	[sflag:s11] =	ssyncadd.s32 $0xFFFF4000  }
0x250: {  	[hbm4b:s30+s3] =	stream.linear.scatter [tilespmem:s4], [sflag:$0x3], $0xC000, $0x38;
	[tilespmem:$0x18200] =	vst v63  }
0x251: {  	_ =	swait.ge [sflag:s8], $0xC000  }
0x252: {  	[sflag:s8] =	ssyncset.done $0x0  }
0x253: {  	[sflag:s8] =	ssyncadd.s32 $0xFFFF4000  }
0x254: {  	v3 =	vld [tilespmem:$0x1C0];
	_ =	sdelay $0x4  }
0x255: {  	v60 =	vshrl.u32 v3, $0x3  }
0x256: {  	v4 =	vmul.u32 $0x30, v60  }
0x257: {  	v3 =	vand.u32 $0x7, v3  }
0x258: {  	v3 =	vor.u32 v3, v4  }
0x259: {  	v4 =	vperm.xlane v3, v0;
	_ =	sdelay $0x1  }
0x25a: {  	v4 =	vadd.s32 v1, v4;
	_ =	sdelay $0x3  }
0x25b: {  	v3 =	vperm.xlane v3, v2  }
0x25c: {  	[tilespmem:s4], [sflag:$0x2] =	stream.indirect_vreg.gather [hbm4b:s1+s3], $0x80, v4, vm0, $0xb8;
	[tilespmem:$0x18200] =	vst v63  }
0x25d: {  	s31 =	simm.s32 $0xCA00;
	v3 =	vadd.s32 v1, v3  }
0x25e: {  	[tilespmem:s31], [sflag:$0x2] =	stream.indirect_vreg.gather [hbm4b:s5+s3], $0x80, v4, vm0, $0xb8;
	[tilespmem:$0x18200] =	vst v63  }
0x25f: {  	s15 =	simm.s32 $0xD200  }
0x260: {  	[tilespmem:s15], [sflag:$0x2] =	stream.indirect_vreg.gather [hbm4b:s6+s3], $0x80, v4, vm0, $0xb8;
	[tilespmem:$0x18200] =	vst v63  }
0x261: {  	s18 =	simm.s32 $0xDA00  }
0x262: {  	[tilespmem:s18], [sflag:$0x2] =	stream.indirect_vreg.gather [hbm4b:s1+s3], $0x80, v3, vm0, $0xb8;
	[tilespmem:$0x18200] =	vst v63  }
0x263: {  	s19 =	simm.s32 $0xE200  }
0x264: {  	[tilespmem:s19], [sflag:$0x2] =	stream.indirect_vreg.gather [hbm4b:s5+s3], $0x80, v3, vm0, $0xb8;
	[tilespmem:$0x18200] =	vst v63  }
0x265: {  	s31 =	simm.s32 $0xEA00  }
0x266: {  	[tilespmem:s31], [sflag:$0x2] =	stream.indirect_vreg.gather [hbm4b:s6+s3], $0x80, v3, vm0, $0xb8;
	[tilespmem:$0x18200] =	vst v63  }
0x267: {  	v3 =	vld [tilespmem:$0x1D0];
	_ =	sdelay $0x4  }
0x268: {  	v61 =	vshrl.u32 v3, $0x3  }
0x269: {  	v4 =	vmul.u32 $0x30, v61  }
0x26a: {  	v3 =	vand.u32 $0x7, v3  }
0x26b: {  	v3 =	vor.u32 v3, v4  }
0x26c: {  	v4 =	vperm.xlane v3, v0;
	_ =	sdelay $0x1  }
0x26d: {  	v4 =	vadd.s32 v1, v4;
	_ =	sdelay $0x3  }
0x26e: {  	s2 =	simm.s32 $0xF200;
	v3 =	vperm.xlane v3, v2  }
0x26f: {  	[tilespmem:s2], [sflag:$0x2] =	stream.indirect_vreg.gather [hbm4b:s1+s3], $0x80, v4, vm0, $0xb8;
	[tilespmem:$0x18200] =	vst v63  }
0x270: {  	s9 =	simm.s32 $0xFA00;
	v3 =	vadd.s32 v1, v3  }
0x271: {  	[tilespmem:s9], [sflag:$0x2] =	stream.indirect_vreg.gather [hbm4b:s5+s3], $0x80, v4, vm0, $0xb8;
	[tilespmem:$0x18200] =	vst v63  }
0x272: {  	s12 =	simm.s32 $0x10200  }
0x273: {  	[tilespmem:s12], [sflag:$0x2] =	stream.indirect_vreg.gather [hbm4b:s6+s3], $0x80, v4, vm0, $0xb8;
	[tilespmem:$0x18200] =	vst v63  }
0x274: {  	s13 =	simm.s32 $0x10A00  }
0x275: {  	[tilespmem:s13], [sflag:$0x2] =	stream.indirect_vreg.gather [hbm4b:s1+s3], $0x80, v3, vm0, $0xb8;
	[tilespmem:$0x18200] =	vst v63  }
0x276: {  	s14 =	simm.s32 $0x11200  }
0x277: {  	[tilespmem:s14], [sflag:$0x2] =	stream.indirect_vreg.gather [hbm4b:s5+s3], $0x80, v3, vm0, $0xb8;
	[tilespmem:$0x18200] =	vst v63  }
0x278: {  	s15 =	simm.s32 $0x11A00  }
0x279: {  	[tilespmem:s15], [sflag:$0x2] =	stream.indirect_vreg.gather [hbm4b:s6+s3], $0x80, v3, vm0, $0xb8;
	[tilespmem:$0x18200] =	vst v63  }
0x27a: {  	v3 =	vld [tilespmem:$0x1E0];
	_ =	sdelay $0x4  }
0x27b: {  	v62 =	vshrl.u32 v3, $0x3  }
0x27c: {  	v4 =	vmul.u32 $0x30, v62  }
0x27d: {  	v3 =	vand.u32 $0x7, v3  }
0x27e: {  	v3 =	vor.u32 v3, v4  }
0x27f: {  	v4 =	vperm.xlane v3, v0;
	_ =	sdelay $0x1  }
0x280: {  	v4 =	vadd.s32 v1, v4;
	_ =	sdelay $0x3  }
0x281: {  	s17 =	simm.s32 $0x12200;
	v3 =	vperm.xlane v3, v2  }
0x282: {  	[tilespmem:s17], [sflag:$0x2] =	stream.indirect_vreg.gather [hbm4b:s1+s3], $0x80, v4, vm0, $0xb8;
	[tilespmem:$0x18200] =	vst v63  }
0x283: {  	s18 =	simm.s32 $0x12A00;
	v3 =	vadd.s32 v1, v3  }
0x284: {  	[tilespmem:s18], [sflag:$0x2] =	stream.indirect_vreg.gather [hbm4b:s5+s3], $0x80, v4, vm0, $0xb8;
	[tilespmem:$0x18200] =	vst v63  }
0x285: {  	s19 =	simm.s32 $0x13200  }
0x286: {  	[tilespmem:s19], [sflag:$0x2] =	stream.indirect_vreg.gather [hbm4b:s6+s3], $0x80, v4, vm0, $0xb8;
	[tilespmem:$0x18200] =	vst v63  }
0x287: {  	s20 =	simm.s32 $0x13A00  }
0x288: {  	[tilespmem:s20], [sflag:$0x2] =	stream.indirect_vreg.gather [hbm4b:s1+s3], $0x80, v3, vm0, $0xb8;
	[tilespmem:$0x18200] =	vst v63  }
0x289: {  	s21 =	simm.s32 $0x14200  }
0x28a: {  	[tilespmem:s21], [sflag:$0x2] =	stream.indirect_vreg.gather [hbm4b:s5+s3], $0x80, v3, vm0, $0xb8;
	[tilespmem:$0x18200] =	vst v63  }
0x28b: {  	s22 =	simm.s32 $0x14A00  }
0x28c: {  	[tilespmem:s22], [sflag:$0x2] =	stream.indirect_vreg.gather [hbm4b:s6+s3], $0x80, v3, vm0, $0xb8;
	[tilespmem:$0x18200] =	vst v63  }
0x28d: {  	v3 =	vld [tilespmem:$0x1F0];
	_ =	sdelay $0x4  }
0x28e: {  	v63 =	vshrl.u32 v3, $0x3  }
0x28f: {  	v4 =	vmul.u32 $0x30, v63  }
0x290: {  	v3 =	vand.u32 $0x7, v3  }
0x291: {  	v3 =	vor.u32 v3, v4  }
0x292: {  	v4 =	vperm.xlane v3, v0;
	_ =	sdelay $0x1  }
0x293: {  	v4 =	vadd.s32 v1, v4;
	_ =	sdelay $0x3  }
0x294: {  	s23 =	simm.s32 $0x15200;
	v3 =	vperm.xlane v3, v2  }
0x295: {  	[tilespmem:s23], [sflag:$0x2] =	stream.indirect_vreg.gather [hbm4b:s1+s3], $0x80, v4, vm0, $0xb8;
	[tilespmem:$0x18200] =	vst v63  }
0x296: {  	s24 =	simm.s32 $0x15A00;
	v3 =	vadd.s32 v1, v3  }
0x297: {  	[tilespmem:s24], [sflag:$0x2] =	stream.indirect_vreg.gather [hbm4b:s5+s3], $0x80, v4, vm0, $0xb8;
	[tilespmem:$0x18200] =	vst v63  }
0x298: {  	s25 =	simm.s32 $0x16200  }
0x299: {  	[tilespmem:s25], [sflag:$0x2] =	stream.indirect_vreg.gather [hbm4b:s6+s3], $0x80, v4, vm0, $0xb8;
	[tilespmem:$0x18200] =	vst v63  }
0x29a: {  	s26 =	simm.s32 $0x16A00  }
0x29b: {  	[tilespmem:s26], [sflag:$0x2] =	stream.indirect_vreg.gather [hbm4b:s1+s3], $0x80, v3, vm0, $0xb8;
	[tilespmem:$0x18200] =	vst v63  }
0x29c: {  	s28 =	simm.s32 $0x17200  }
0x29d: {  	[tilespmem:s28], [sflag:$0x2] =	stream.indirect_vreg.gather [hbm4b:s5+s3], $0x80, v3, vm0, $0xb8;
	[tilespmem:$0x18200] =	vst v63  }
0x29e: {  	s29 =	simm.s32 $0x17A00  }
0x29f: {  	[tilespmem:s29], [sflag:$0x2] =	stream.indirect_vreg.gather [hbm4b:s6+s3], $0x80, v3, vm0, $0xb8;
	[tilespmem:$0x18200] =	vst v63  }
0x2a0: {  	_ =	swait.ge [sflag:s10], $0xC000  }
0x2a1: {  	[sflag:s10] =	ssyncset.done $0x0  }
0x2a2: {  	s30 =	rddreg [dreg:$0xa];
	[sflag:s10] =	ssyncadd.s32 $0xFFFF4000  }
0x2a3: {  	[hbm4b:s30+s3] =	stream.linear.scatter [tilespmem:s16], [sflag:$0x3], $0xC000, $0x38;
	[tilespmem:$0x18200] =	vst v63  }
0x2a4: {  	_ =	swait.ge [sflag:s8], $0xC000  }
0x2a5: {  	[sflag:s8] =	ssyncset.done $0x0  }
0x2a6: {  	[sflag:s8] =	ssyncadd.s32 $0xFFFF4000  }
0x2a7: {  	_ =	swait.ge [sflag:s11], $0xC000  }
0x2a8: {  	p0 =	sne.s32 s7, $0x1;
	[sflag:s11] =	ssyncset.done $0x0  }
.Ltmp0:
0x2a9: {  	s31 =	rddreg [dreg:$0xb];
	[sflag:s11] =	ssyncadd.s32 $0xFFFF4000;
	(pc) =	sbr.rel @p0 .LBB2_1-.Ltmp0, $4  }
0x2aa: {  	[hbm4b:s31+s3] =	stream.linear.scatter [tilespmem:s4], [sflag:$0x3], $0xC000, $0x38;
	[tilespmem:$0x18200] =	vst v63  }
0x2ab: {  	_ =	swait.ge [sflag:s8], $0xC000  }
0x2ac: {  	[sflag:s8] =	ssyncset.done $0x0  }
0x2ad: {  	s7 =	sadd.s32 $0xFFFFFFFF, s7;
	[sflag:s8] =	ssyncadd.s32 $0xFFFF4000  }
0x2ae: {  	_ =	sfence.sel $0x180000  }
0x2af: {  	[bflag:$0x0] =	sbarrier.arrive $0xFFFF  }
0x2b0: {  	_ =	strace $0x90000047  }
0x2b1: {  	s0 =	stileid.u32;
	[bflag:$0x2] =	sbarrier.arrive $0xFFFF  }
0x2b2: {  	p0 =	sne.s32 s0, $0x0;
	s0 =	rddreg [dreg:$0x3]  }
0x2b3: {  	s0 =	sadd.s32 @!p0 $0x100000, s0  }
0x2b4: {  	[sflag:s0] =	ssyncadd.tile.s32 @!p0 $0x1;
	_ =	shalt  }
.Lfunc_end2:
_tile_overlayer_lowered:
.L_overlay_start_2:
0x2b5: {  	(tag) =	ssettag $0x2  }
0x2b6: {  	s0 =	rddreg [dreg:$0x0];
	s2 =	stileid.u32  }
0x2b7: {  	s1 =	rddreg [dreg:$0x1];
	p0 =	sne.s32 s2, $0x0  }
0x2b8: {  	s3 =	rddreg [dreg:$0x2];
	[bflag:$0x3] =	sbarrier.arrive $0xFFFF;
	s2 =	simm.s32 @!p0 $0x1C03  }
0x2b9: {  	[timem:s3], [sflag:s2] =	dma.local @!p0 [hbm:s0], s1  }
0x2ba: {  	s0 =	simm.s32 @!p0 $0x3  }
0x2bb: {  	_ =	swait.ge @!p0 [sflag:s0], s1  }
0x2bc: {  	s1 =	ssub.s32 @!p0 $0x0, s1;
	[sflag:s0] =	ssyncset.done @!p0 $0x0  }
0x2bd: {  	[sflag:s0] =	ssyncadd.s32 @!p0 s1  }
0x2be: {  	[bflag:$0x3] =	sbarrier.arrive $0xFFFF  }
0x2bf: {  	_ =	shalt  }

</sc_bundles>
